<compile_context>
chip_gen: v7x
topology: tpu7x:2x2x1
jax: 0.10.2.dev20260603
libtpu: 0.0.44.dev20260713+nightly
codegen_flags: <defaults>
</compile_context>

<pallas_src>
import functools

import jax
import jax.numpy as jnp
from jax import lax
from jax.experimental import pallas as pl
from jax.experimental.pallas import tpu as pltpu
from jax.experimental.pallas import tpu_sc as plsc

NCLS = 27
BINS = NCLS * NCLS
BINS_PAD = 736
L = 16
NCORES = 2
NSUB = 16
NW = NCORES * NSUB
NROWS = 8192
NCOLS = 512
ROWS_W = NROWS // NW
RCHUNK = 32
N_CHUNKS = ROWS_W // RCHUNK
CHUNK = RCHUNK * NCOLS
VECS = CHUNK // L
UNROLL = 12
CVECS = NCOLS // L


@functools.partial(
    pl.kernel,
    mesh=plsc.VectorSubcoreMesh(core_axis_name="c", subcore_axis_name="s"),
    out_type=jax.ShapeDtypeStruct((NCORES, BINS_PAD), jnp.int32),
    compiler_params=pltpu.CompilerParams(needs_layout_passes=False),
    scratch_types=[
        pltpu.VMEM((RCHUNK, NCOLS), jnp.int32),
        pltpu.VMEM((RCHUNK, NCOLS), jnp.int32),
        pltpu.VMEM((RCHUNK, NCOLS), jnp.int32),
        pltpu.VMEM((RCHUNK, NCOLS), jnp.int32),
        pltpu.VMEM((L * BINS_PAD,), jnp.int32),
        pltpu.VMEM((BINS_PAD,), jnp.int32),
        pltpu.VMEM((NSUB * BINS_PAD,), jnp.int32),
        pltpu.VMEM_SHARED((NSUB * BINS_PAD,), jnp.int32),
        pltpu.SemaphoreType.DMA,
        pltpu.SemaphoreType.DMA,
        pltpu.SemaphoreType.DMA,
        pltpu.SemaphoreType.DMA,
    ],
)
def _hist_sc(preds_hbm, label_hbm, out_hbm, pb0, pb1, lb0, lb1, hist, redv,
             accbuf, shared, psem0, psem1, lsem0, lsem1):
    c = lax.axis_index("c")
    s = lax.axis_index("s")
    wid = c * NSUB + s
    row_w = wid * ROWS_W

    zero16 = jnp.zeros((L,), jnp.int32)
    one16 = jnp.ones((L,), jnp.int32)
    lane_off = lax.iota(jnp.int32, L) * BINS_PAD

    def start(ci, pb, lb, psem, lsem):
        r0 = row_w + ci * RCHUNK
        pltpu.async_copy(preds_hbm.at[pl.ds(r0, RCHUNK), :], pb, psem)
        pltpu.async_copy(label_hbm.at[pl.ds(r0, RCHUNK), :], lb, lsem)

    def wait(pb, lb, psem, lsem):
        pltpu.make_async_copy(preds_hbm.at[pl.ds(0, RCHUNK), :], pb, psem).wait()
        pltpu.make_async_copy(label_hbm.at[pl.ds(0, RCHUNK), :], lb, lsem).wait()

    def process(pb, lb):
        @plsc.parallel_loop(0, VECS, unroll=UNROLL)
        def vec_body(vi):
            r = vi // CVECS
            off = (vi % CVECS) * L
            p = pb[r, pl.ds(off, L)]
            lbv = lb[r, pl.ds(off, L)]
            idx = lane_off + (lbv * NCLS + p)
            plsc.addupdate_scatter(hist, [idx], one16)

    start(0, pb0, lb0, psem0, lsem0)

    def zero_body(i, carry):
        hist[pl.ds(i * L, L)] = zero16
        return carry

    lax.fori_loop(0, (L * BINS_PAD) // L, zero_body, 0)

    def pair_body(k, carry):
        ci = k * 2
        start(ci + 1, pb1, lb1, psem1, lsem1)
        wait(pb0, lb0, psem0, lsem0)
        process(pb0, lb0)

        @pl.when(k < N_CHUNKS // 2 - 1)
        def _():
            start(ci + 2, pb0, lb0, psem0, lsem0)

        wait(pb1, lb1, psem1, lsem1)
        process(pb1, lb1)
        return carry

    lax.fori_loop(0, N_CHUNKS // 2, pair_body, 0)

    def red_body(cb, carry):
        off = cb * L
        acc = hist[pl.ds(off, L)]
        for ln in range(1, L):
            acc = acc + hist[pl.ds(ln * BINS_PAD + off, L)]
        redv[pl.ds(off, L)] = acc
        return carry

    lax.fori_loop(0, BINS_PAD // L, red_body, 0)

    pltpu.sync_copy(redv, shared.at[pl.ds(s * BINS_PAD, BINS_PAD)])
    plsc.subcore_barrier()

    @pl.when(s == 0)
    def _():
        pltpu.sync_copy(shared, accbuf)

        def acc_body(cb, carry):
            off = cb * L
            acc = accbuf[pl.ds(off, L)]
            for r in range(1, NSUB):
                acc = acc + accbuf[pl.ds(r * BINS_PAD + off, L)]
            redv[pl.ds(off, L)] = acc
            return carry

        lax.fori_loop(0, BINS_PAD // L, acc_body, 0)
        pltpu.sync_copy(redv, out_hbm.at[c])


def kernel(preds, label, confusion_matrix):
    p = preds.reshape(NROWS, NCOLS).astype(jnp.int32)
    lb = label.reshape(NROWS, NCOLS).astype(jnp.int32)
    parts = _hist_sc(p, lb)
    counts = parts[0, :BINS] + parts[1, :BINS]
    conf = counts.reshape(NCLS, NCLS).T
    return confusion_matrix + conf.astype(confusion_matrix.dtype)

# --- scband reference (transcript-rebuilt; emitter-appended) ---
"""Pipeline reference for scband-un-seg-metrics-8976481649067 (READ-ONLY COPY).

The authoritative reference and input builder live on the scoring server;
editing this copy changes nothing except your own understanding.
"""

import jax, jax.numpy as jnp
import numpy as np

NUM_CLASSES = 27
EXTRA_CLASSES = 0

def setup_inputs(seed: int = 0) -> dict:
    key = jax.random.key(seed)
    k1, k2 = jax.random.split(key)
    preds = jax.random.randint(k1, (16, 512, 512), 0, NUM_CLASSES, dtype=jnp.int64) if jax.config.jax_enable_x64 else jax.random.randint(k1, (16, 512, 512), 0, NUM_CLASSES).astype(jnp.int32)
    label = jax.random.randint(k2, (16, 512, 512), 0, NUM_CLASSES).astype(preds.dtype)
    confusion_matrix = jnp.zeros((NUM_CLASSES + EXTRA_CLASSES, NUM_CLASSES), dtype=preds.dtype)
    return {"preds": preds, "label": label, "confusion_matrix": confusion_matrix}

def reference(preds, label, confusion_matrix):
    nc = NUM_CLASSES
    nce = NUM_CLASSES + EXTRA_CLASSES
    preds_f = preds.reshape(-1)
    label_f = label.reshape(-1)
    mask = (label_f >= 0) & (label_f < nc) & (preds_f >= 0) & (preds_f < nc)
    # jit-safe masking: route invalid entries to an overflow bin that is dropped
    bins = jnp.where(mask, label_f * nce + preds_f, nc * nce)
    counts = jnp.bincount(bins, length=nc * nce + 1)[: nc * nce]
    confusion = counts.reshape(nc, nce).T.astype(confusion_matrix.dtype)
    return confusion_matrix + confusion

if __name__ == "__main__":
    import jax
    _d = setup_inputs()
    print(jax.jit(kernel)(*tuple(_d.values())))

</pallas_src>

<mosaic_0001>
#map = affine_map<(d0, d1) -> (0, 0)>
module attributes {stable_mosaic.version = 14 : i64} {
  func.func @_hist_sc(%arg0: i32, %arg1: i32, %arg2: memref<8192x512xi32, #tpu.memory_space<hbm>>, %arg3: memref<8192x512xi32, #tpu.memory_space<hbm>>, %arg4: memref<2x736xi32, #tpu.memory_space<hbm>>, %arg5: memref<32x512xi32, #tpu.memory_space<vmem>>, %arg6: memref<32x512xi32, #tpu.memory_space<vmem>>, %arg7: memref<32x512xi32, #tpu.memory_space<vmem>>, %arg8: memref<32x512xi32, #tpu.memory_space<vmem>>, %arg9: memref<11776xi32, #tpu.memory_space<vmem>>, %arg10: memref<736xi32, #tpu.memory_space<vmem>>, %arg11: memref<11776xi32, #tpu.memory_space<vmem>>, %arg12: memref<11776xi32, #tpu.memory_space<vmem_shared>>, %arg13: memref<!tpu.dma_semaphore, #tpu.memory_space<semaphore_mem>>, %arg14: memref<!tpu.dma_semaphore, #tpu.memory_space<semaphore_mem>>, %arg15: memref<!tpu.dma_semaphore, #tpu.memory_space<semaphore_mem>>, %arg16: memref<!tpu.dma_semaphore, #tpu.memory_space<semaphore_mem>>) attributes {dimension_semantics = [#tpu.dimension_semantics<core_parallel>, #tpu.dimension_semantics<subcore_parallel>], iteration_bounds = array<i64: 2, 16>, scalar_prefetch = 0 : i64, scratch_operands = 12 : i64, tpu.core_type = #tpu.core_type<sc_vector_subcore>, window_params = [{transform_indices = #map}, {transform_indices = #map}, {transform_indices = #map}]} {
    %mul3A = arith.constant 16 : i32
    %mul3A_0 = arith.muli %arg0, %mul3A : i32
    %add3A = arith.addi %mul3A_0, %arg1 : i32
    %mul3A_1 = arith.constant 256 : i32
    %mul3A_2 = arith.muli %add3A, %mul3A_1 : i32
    %broadcast_in_dim3A = arith.constant 0 : i32
    %broadcast_in_dim3A_3 = vector.broadcast %broadcast_in_dim3A : i32 to vector<16xi32>
    %broadcast_in_dim3A_4 = arith.constant 1 : i32
    %broadcast_in_dim3A_5 = vector.broadcast %broadcast_in_dim3A_4 : i32 to vector<16xi32>
    %iota3A = tpu.iota {dimensions = array<i32: 0>} : vector<16xi32>
    %mul3A_6 = arith.constant 736 : i32
    %mul3A_7 = vector.broadcast %mul3A_6 : i32 to vector<16xi32>
    %mul3A_8 = arith.muli %iota3A, %mul3A_7 : vector<16xi32>
    %add3A_9 = arith.constant 0 : i32
    %add3A_10 = arith.addi %mul3A_2, %add3A_9 : i32
    %dma_start3A = arith.constant 0 : i32
    %dma_start3A_11 = tpu.memref_slice %arg2[%add3A_10, %dma_start3A] : memref<8192x512xi32, #tpu.memory_space<hbm>> -> memref<32x512xi32, #tpu.memory_space<hbm>>
    %dma_start3A_12 = arith.constant 0 : i32
    %dma_start3A_13 = tpu.memref_slice %arg2[%add3A_10, %dma_start3A_12] : memref<8192x512xi32, #tpu.memory_space<hbm>> -> memref<32x512xi32, #tpu.memory_space<hbm>>
    tpu.enqueue_dma source(%dma_start3A_13 : memref<32x512xi32, #tpu.memory_space<hbm>>) target(%arg5 : memref<32x512xi32, #tpu.memory_space<vmem>>) target_semaphore(%arg13 : memref<!tpu.dma_semaphore, #tpu.memory_space<semaphore_mem>>)
    %dma_start3A_14 = arith.constant 0 : i32
    %dma_start3A_15 = tpu.memref_slice %arg3[%add3A_10, %dma_start3A_14] : memref<8192x512xi32, #tpu.memory_space<hbm>> -> memref<32x512xi32, #tpu.memory_space<hbm>>
    %dma_start3A_16 = arith.constant 0 : i32
    %dma_start3A_17 = tpu.memref_slice %arg3[%add3A_10, %dma_start3A_16] : memref<8192x512xi32, #tpu.memory_space<hbm>> -> memref<32x512xi32, #tpu.memory_space<hbm>>
    tpu.enqueue_dma source(%dma_start3A_17 : memref<32x512xi32, #tpu.memory_space<hbm>>) target(%arg7 : memref<32x512xi32, #tpu.memory_space<vmem>>) target_semaphore(%arg15 : memref<!tpu.dma_semaphore, #tpu.memory_space<semaphore_mem>>)
    %scan3A = arith.constant 0 : i32
    %scan3A_18 = arith.constant 0 : i32
    %scan3A_19 = arith.constant 736 : i32
    %scan3A_20 = arith.addi %scan3A_18, %scan3A_19 : i32
    %scan3A_21 = arith.constant 1 : i32
    scf.for %scan3A_39 = %scan3A_18 to %scan3A_20 step %scan3A_21  : i32 {
      %mul3A_40 = arith.constant 16 : i32
      %mul3A_41 = arith.muli %scan3A_39, %mul3A_40 : i32
      %swap3A = arith.index_cast %mul3A_41 : i32 to index
      %swap3A_42 = tpu.vector_load %arg9[%swap3A] {strides = array<i32>} : memref<11776xi32, #tpu.memory_space<vmem>>, vector<16xi32>,
      tpu.vector_store %arg9[%swap3A], %broadcast_in_dim3A_3 {strides = array<i32>} : memref<11776xi32, #tpu.memory_space<vmem>>, vector<16xi32>,
    }
    %scan3A_22 = arith.constant 736 : i32
    %scan3A_23 = arith.constant 0 : i32
    %scan3A_24 = arith.constant 0 : i32
    %scan3A_25 = arith.constant 4 : i32
    %scan3A_26 = arith.addi %scan3A_24, %scan3A_25 : i32
    %scan3A_27 = arith.constant 1 : i32
    scf.for %scan3A_39 = %scan3A_24 to %scan3A_26 step %scan3A_27  : i32 {
      %mul3A_40 = arith.constant 2 : i32
      %mul3A_41 = arith.muli %scan3A_39, %mul3A_40 : i32
      %add3A_42 = arith.constant 1 : i32
      %add3A_43 = arith.addi %mul3A_41, %add3A_42 : i32
      %mul3A_44 = arith.constant 32 : i32
      %mul3A_45 = arith.muli %add3A_43, %mul3A_44 : i32
      %add3A_46 = arith.addi %mul3A_2, %mul3A_45 : i32
      %dma_start3A_47 = arith.constant 0 : i32
      %dma_start3A_48 = tpu.memref_slice %arg2[%add3A_46, %dma_start3A_47] : memref<8192x512xi32, #tpu.memory_space<hbm>> -> memref<32x512xi32, #tpu.memory_space<hbm>>
      %dma_start3A_49 = arith.constant 0 : i32
      %dma_start3A_50 = tpu.memref_slice %arg2[%add3A_46, %dma_start3A_49] : memref<8192x512xi32, #tpu.memory_space<hbm>> -> memref<32x512xi32, #tpu.memory_space<hbm>>
      tpu.enqueue_dma source(%dma_start3A_50 : memref<32x512xi32, #tpu.memory_space<hbm>>) target(%arg6 : memref<32x512xi32, #tpu.memory_space<vmem>>) target_semaphore(%arg14 : memref<!tpu.dma_semaphore, #tpu.memory_space<semaphore_mem>>)
      %dma_start3A_51 = arith.constant 0 : i32
      %dma_start3A_52 = tpu.memref_slice %arg3[%add3A_46, %dma_start3A_51] : memref<8192x512xi32, #tpu.memory_space<hbm>> -> memref<32x512xi32, #tpu.memory_space<hbm>>
      %dma_start3A_53 = arith.constant 0 : i32
      %dma_start3A_54 = tpu.memref_slice %arg3[%add3A_46, %dma_start3A_53] : memref<8192x512xi32, #tpu.memory_space<hbm>> -> memref<32x512xi32, #tpu.memory_space<hbm>>
      tpu.enqueue_dma source(%dma_start3A_54 : memref<32x512xi32, #tpu.memory_space<hbm>>) target(%arg8 : memref<32x512xi32, #tpu.memory_space<vmem>>) target_semaphore(%arg16 : memref<!tpu.dma_semaphore, #tpu.memory_space<semaphore_mem>>)
      %dma_wait3A = arith.constant 0 : i32
      %dma_wait3A_55 = arith.constant 0 : i32
      %dma_wait3A_56 = tpu.memref_slice %arg2[%dma_wait3A, %dma_wait3A_55] : memref<8192x512xi32, #tpu.memory_space<hbm>> -> memref<32x512xi32, #tpu.memory_space<hbm>>
      %dma_wait3A_57 = arith.constant 0 : i32
      %dma_wait3A_58 = arith.constant 0 : i32
      %dma_wait3A_59 = tpu.memref_slice %arg2[%dma_wait3A_57, %dma_wait3A_58] : memref<8192x512xi32, #tpu.memory_space<hbm>> -> memref<32x512xi32, #tpu.memory_space<hbm>>
      tpu.wait_dma2 semaphore(%arg13 : memref<!tpu.dma_semaphore, #tpu.memory_space<semaphore_mem>>) src(%dma_wait3A_59 : memref<32x512xi32, #tpu.memory_space<hbm>>) dst(%arg5 : memref<32x512xi32, #tpu.memory_space<vmem>>)
      %dma_wait3A_60 = arith.constant 0 : i32
      %dma_wait3A_61 = arith.constant 0 : i32
      %dma_wait3A_62 = tpu.memref_slice %arg3[%dma_wait3A_60, %dma_wait3A_61] : memref<8192x512xi32, #tpu.memory_space<hbm>> -> memref<32x512xi32, #tpu.memory_space<hbm>>
      %dma_wait3A_63 = arith.constant 0 : i32
      %dma_wait3A_64 = arith.constant 0 : i32
      %dma_wait3A_65 = tpu.memref_slice %arg3[%dma_wait3A_63, %dma_wait3A_64] : memref<8192x512xi32, #tpu.memory_space<hbm>> -> memref<32x512xi32, #tpu.memory_space<hbm>>
      tpu.wait_dma2 semaphore(%arg15 : memref<!tpu.dma_semaphore, #tpu.memory_space<semaphore_mem>>) src(%dma_wait3A_65 : memref<32x512xi32, #tpu.memory_space<hbm>>) dst(%arg7 : memref<32x512xi32, #tpu.memory_space<vmem>>)
      %parallel_loop3A = arith.constant 0 : i32
      %parallel_loop3A_66 = arith.constant 1024 : i32
      %parallel_loop3A_67 = arith.constant 1 : i32
      scf.for %parallel_loop3A_87 = %parallel_loop3A to %parallel_loop3A_66 step %parallel_loop3A_67  : i32 {
        %parallel_loop3A_88 = arith.constant 32 : i32
        %parallel_loop3A_89 = arith.divsi %parallel_loop3A_87, %parallel_loop3A_88 : i32
        %parallel_loop3A_90 = arith.constant 0 : i32
        %parallel_loop3A_91 = arith.cmpi sgt, %parallel_loop3A_87, %parallel_loop3A_90 : i32
        %parallel_loop3A_92 = arith.extui %parallel_loop3A_91 : i1 to i32
        %parallel_loop3A_93 = arith.constant 0 : i32
        %parallel_loop3A_94 = arith.cmpi slt, %parallel_loop3A_87, %parallel_loop3A_93 : i32
        %parallel_loop3A_95 = arith.extui %parallel_loop3A_94 : i1 to i32
        %parallel_loop3A_96 = arith.subi %parallel_loop3A_92, %parallel_loop3A_95 : i32
        %parallel_loop3A_97 = arith.constant 0 : i32
        %parallel_loop3A_98 = arith.cmpi sgt, %parallel_loop3A_88, %parallel_loop3A_97 : i32
        %parallel_loop3A_99 = arith.extui %parallel_loop3A_98 : i1 to i32
        %parallel_loop3A_100 = arith.constant 0 : i32
        %parallel_loop3A_101 = arith.cmpi slt, %parallel_loop3A_88, %parallel_loop3A_100 : i32
        %parallel_loop3A_102 = arith.extui %parallel_loop3A_101 : i1 to i32
        %parallel_loop3A_103 = arith.subi %parallel_loop3A_99, %parallel_loop3A_102 : i32
        %parallel_loop3A_104 = arith.cmpi ne, %parallel_loop3A_96, %parallel_loop3A_103 : i32
        %parallel_loop3A_105 = arith.remsi %parallel_loop3A_87, %parallel_loop3A_88 : i32
        %parallel_loop3A_106 = arith.constant 0 : i32
        %parallel_loop3A_107 = arith.cmpi ne, %parallel_loop3A_105, %parallel_loop3A_106 : i32
        %parallel_loop3A_108 = arith.andi %parallel_loop3A_104, %parallel_loop3A_107 : i1
        %parallel_loop3A_109 = arith.constant 1 : i32
        %parallel_loop3A_110 = arith.subi %parallel_loop3A_89, %parallel_loop3A_109 : i32
        %parallel_loop3A_111 = arith.select %parallel_loop3A_108, %parallel_loop3A_110, %parallel_loop3A_89 : i32
        %parallel_loop3A_112 = arith.constant 32 : i32
        %parallel_loop3A_113 = arith.constant 0 : i32
        %parallel_loop3A_114 = arith.cmpi eq, %parallel_loop3A_112, %parallel_loop3A_113 : i32
        %parallel_loop3A_115 = arith.constant 1 : i32
        %parallel_loop3A_116 = arith.select %parallel_loop3A_114, %parallel_loop3A_115, %parallel_loop3A_112 : i32
        %parallel_loop3A_117 = arith.remsi %parallel_loop3A_87, %parallel_loop3A_116 : i32
        %parallel_loop3A_118 = arith.constant 0 : i32
        %parallel_loop3A_119 = arith.cmpi ne, %parallel_loop3A_117, %parallel_loop3A_118 : i32
        %parallel_loop3A_120 = arith.constant 0 : i32
        %parallel_loop3A_121 = arith.cmpi slt, %parallel_loop3A_117, %parallel_loop3A_120 : i32
        %parallel_loop3A_122 = arith.constant 0 : i32
        %parallel_loop3A_123 = arith.cmpi slt, %parallel_loop3A_116, %parallel_loop3A_122 : i32
        %parallel_loop3A_124 = arith.xori %parallel_loop3A_121, %parallel_loop3A_123 : i1
        %parallel_loop3A_125 = arith.andi %parallel_loop3A_124, %parallel_loop3A_119 : i1
        %parallel_loop3A_126 = arith.addi %parallel_loop3A_117, %parallel_loop3A_116 : i32
        %parallel_loop3A_127 = arith.select %parallel_loop3A_125, %parallel_loop3A_126, %parallel_loop3A_117 : i32
        %parallel_loop3A_128 = arith.constant 16 : i32
        %parallel_loop3A_129 = arith.muli %parallel_loop3A_127, %parallel_loop3A_128 : i32
        %parallel_loop3A_130 = arith.index_cast %parallel_loop3A_111 : i32 to index
        %parallel_loop3A_131 = arith.index_cast %parallel_loop3A_129 : i32 to index
        %parallel_loop3A_132 = tpu.vector_load %arg5[%parallel_loop3A_130, %parallel_loop3A_131] {strides = array<i32>} : memref<32x512xi32, #tpu.memory_space<vmem>>, vector<16xi32>,
        %parallel_loop3A_133 = arith.index_cast %parallel_loop3A_111 : i32 to index
        %parallel_loop3A_134 = arith.index_cast %parallel_loop3A_129 : i32 to index
        %parallel_loop3A_135 = tpu.vector_load %arg7[%parallel_loop3A_133, %parallel_loop3A_134] {strides = array<i32>} : memref<32x512xi32, #tpu.memory_space<vmem>>, vector<16xi32>,
        %parallel_loop3A_136 = arith.constant 27 : i32
        %parallel_loop3A_137 = vector.broadcast %parallel_loop3A_136 : i32 to vector<16xi32>
        %parallel_loop3A_138 = arith.muli %parallel_loop3A_135, %parallel_loop3A_137 : vector<16xi32>
        %parallel_loop3A_139 = arith.addi %parallel_loop3A_138, %parallel_loop3A_132 : vector<16xi32>
        %parallel_loop3A_140 = arith.addi %mul3A_8, %parallel_loop3A_139 : vector<16xi32>
        tpu.vector_store_idx %arg9[%parallel_loop3A_140], %broadcast_in_dim3A_5 {add = true} : memref<11776xi32, #tpu.memory_space<vmem>>[vector<16xi32>], vector<16xi32>,
      } {sc.loop_unroll_factor = 12 : i64, sc.parallel_access}
      %lt3A = arith.constant 3 : i32
      %lt3A_68 = arith.cmpi slt, %scan3A_39, %lt3A : i32
      %convert_element_type3A_69 = arith.extui %lt3A_68 : i1 to i32
      %cond3A_70 = arith.constant 0 : i32
      %cond3A_71 = arith.cmpi ne, %convert_element_type3A_69, %cond3A_70 : i32
      scf.if %cond3A_71 {
        %add3A_87 = arith.constant 2 : i32
        %add3A_88 = arith.addi %mul3A_41, %add3A_87 : i32
        %mul3A_89 = arith.constant 32 : i32
        %mul3A_90 = arith.muli %add3A_88, %mul3A_89 : i32
        %add3A_91 = arith.addi %mul3A_2, %mul3A_90 : i32
        %dma_start3A_92 = arith.constant 0 : i32
        %dma_start3A_93 = tpu.memref_slice %arg2[%add3A_91, %dma_start3A_92] : memref<8192x512xi32, #tpu.memory_space<hbm>> -> memref<32x512xi32, #tpu.memory_space<hbm>>
        %dma_start3A_94 = arith.constant 0 : i32
        %dma_start3A_95 = tpu.memref_slice %arg2[%add3A_91, %dma_start3A_94] : memref<8192x512xi32, #tpu.memory_space<hbm>> -> memref<32x512xi32, #tpu.memory_space<hbm>>
        tpu.enqueue_dma source(%dma_start3A_95 : memref<32x512xi32, #tpu.memory_space<hbm>>) target(%arg5 : memref<32x512xi32, #tpu.memory_space<vmem>>) target_semaphore(%arg13 : memref<!tpu.dma_semaphore, #tpu.memory_space<semaphore_mem>>)
        %dma_start3A_96 = arith.constant 0 : i32
        %dma_start3A_97 = tpu.memref_slice %arg3[%add3A_91, %dma_start3A_96] : memref<8192x512xi32, #tpu.memory_space<hbm>> -> memref<32x512xi32, #tpu.memory_space<hbm>>
        %dma_start3A_98 = arith.constant 0 : i32
        %dma_start3A_99 = tpu.memref_slice %arg3[%add3A_91, %dma_start3A_98] : memref<8192x512xi32, #tpu.memory_space<hbm>> -> memref<32x512xi32, #tpu.memory_space<hbm>>
        tpu.enqueue_dma source(%dma_start3A_99 : memref<32x512xi32, #tpu.memory_space<hbm>>) target(%arg7 : memref<32x512xi32, #tpu.memory_space<vmem>>) target_semaphore(%arg15 : memref<!tpu.dma_semaphore, #tpu.memory_space<semaphore_mem>>)
      } else {
      }
      %dma_wait3A_72 = arith.constant 0 : i32
      %dma_wait3A_73 = arith.constant 0 : i32
      %dma_wait3A_74 = tpu.memref_slice %arg2[%dma_wait3A_72, %dma_wait3A_73] : memref<8192x512xi32, #tpu.memory_space<hbm>> -> memref<32x512xi32, #tpu.memory_space<hbm>>
      %dma_wait3A_75 = arith.constant 0 : i32
      %dma_wait3A_76 = arith.constant 0 : i32
      %dma_wait3A_77 = tpu.memref_slice %arg2[%dma_wait3A_75, %dma_wait3A_76] : memref<8192x512xi32, #tpu.memory_space<hbm>> -> memref<32x512xi32, #tpu.memory_space<hbm>>
      tpu.wait_dma2 semaphore(%arg14 : memref<!tpu.dma_semaphore, #tpu.memory_space<semaphore_mem>>) src(%dma_wait3A_77 : memref<32x512xi32, #tpu.memory_space<hbm>>) dst(%arg6 : memref<32x512xi32, #tpu.memory_space<vmem>>)
      %dma_wait3A_78 = arith.constant 0 : i32
      %dma_wait3A_79 = arith.constant 0 : i32
      %dma_wait3A_80 = tpu.memref_slice %arg3[%dma_wait3A_78, %dma_wait3A_79] : memref<8192x512xi32, #tpu.memory_space<hbm>> -> memref<32x512xi32, #tpu.memory_space<hbm>>
      %dma_wait3A_81 = arith.constant 0 : i32
      %dma_wait3A_82 = arith.constant 0 : i32
      %dma_wait3A_83 = tpu.memref_slice %arg3[%dma_wait3A_81, %dma_wait3A_82] : memref<8192x512xi32, #tpu.memory_space<hbm>> -> memref<32x512xi32, #tpu.memory_space<hbm>>
      tpu.wait_dma2 semaphore(%arg16 : memref<!tpu.dma_semaphore, #tpu.memory_space<semaphore_mem>>) src(%dma_wait3A_83 : memref<32x512xi32, #tpu.memory_space<hbm>>) dst(%arg8 : memref<32x512xi32, #tpu.memory_space<vmem>>)
      %parallel_loop3A_84 = arith.constant 0 : i32
      %parallel_loop3A_85 = arith.constant 1024 : i32
      %parallel_loop3A_86 = arith.constant 1 : i32
      scf.for %parallel_loop3A_87 = %parallel_loop3A_84 to %parallel_loop3A_85 step %parallel_loop3A_86  : i32 {
        %parallel_loop3A_88 = arith.constant 32 : i32
        %parallel_loop3A_89 = arith.divsi %parallel_loop3A_87, %parallel_loop3A_88 : i32
        %parallel_loop3A_90 = arith.constant 0 : i32
        %parallel_loop3A_91 = arith.cmpi sgt, %parallel_loop3A_87, %parallel_loop3A_90 : i32
        %parallel_loop3A_92 = arith.extui %parallel_loop3A_91 : i1 to i32
        %parallel_loop3A_93 = arith.constant 0 : i32
        %parallel_loop3A_94 = arith.cmpi slt, %parallel_loop3A_87, %parallel_loop3A_93 : i32
        %parallel_loop3A_95 = arith.extui %parallel_loop3A_94 : i1 to i32
        %parallel_loop3A_96 = arith.subi %parallel_loop3A_92, %parallel_loop3A_95 : i32
        %parallel_loop3A_97 = arith.constant 0 : i32
        %parallel_loop3A_98 = arith.cmpi sgt, %parallel_loop3A_88, %parallel_loop3A_97 : i32
        %parallel_loop3A_99 = arith.extui %parallel_loop3A_98 : i1 to i32
        %parallel_loop3A_100 = arith.constant 0 : i32
        %parallel_loop3A_101 = arith.cmpi slt, %parallel_loop3A_88, %parallel_loop3A_100 : i32
        %parallel_loop3A_102 = arith.extui %parallel_loop3A_101 : i1 to i32
        %parallel_loop3A_103 = arith.subi %parallel_loop3A_99, %parallel_loop3A_102 : i32
        %parallel_loop3A_104 = arith.cmpi ne, %parallel_loop3A_96, %parallel_loop3A_103 : i32
        %parallel_loop3A_105 = arith.remsi %parallel_loop3A_87, %parallel_loop3A_88 : i32
        %parallel_loop3A_106 = arith.constant 0 : i32
        %parallel_loop3A_107 = arith.cmpi ne, %parallel_loop3A_105, %parallel_loop3A_106 : i32
        %parallel_loop3A_108 = arith.andi %parallel_loop3A_104, %parallel_loop3A_107 : i1
        %parallel_loop3A_109 = arith.constant 1 : i32
        %parallel_loop3A_110 = arith.subi %parallel_loop3A_89, %parallel_loop3A_109 : i32
        %parallel_loop3A_111 = arith.select %parallel_loop3A_108, %parallel_loop3A_110, %parallel_loop3A_89 : i32
        %parallel_loop3A_112 = arith.constant 32 : i32
        %parallel_loop3A_113 = arith.constant 0 : i32
        %parallel_loop3A_114 = arith.cmpi eq, %parallel_loop3A_112, %parallel_loop3A_113 : i32
        %parallel_loop3A_115 = arith.constant 1 : i32
        %parallel_loop3A_116 = arith.select %parallel_loop3A_114, %parallel_loop3A_115, %parallel_loop3A_112 : i32
        %parallel_loop3A_117 = arith.remsi %parallel_loop3A_87, %parallel_loop3A_116 : i32
        %parallel_loop3A_118 = arith.constant 0 : i32
        %parallel_loop3A_119 = arith.cmpi ne, %parallel_loop3A_117, %parallel_loop3A_118 : i32
        %parallel_loop3A_120 = arith.constant 0 : i32
        %parallel_loop3A_121 = arith.cmpi slt, %parallel_loop3A_117, %parallel_loop3A_120 : i32
        %parallel_loop3A_122 = arith.constant 0 : i32
        %parallel_loop3A_123 = arith.cmpi slt, %parallel_loop3A_116, %parallel_loop3A_122 : i32
        %parallel_loop3A_124 = arith.xori %parallel_loop3A_121, %parallel_loop3A_123 : i1
        %parallel_loop3A_125 = arith.andi %parallel_loop3A_124, %parallel_loop3A_119 : i1
        %parallel_loop3A_126 = arith.addi %parallel_loop3A_117, %parallel_loop3A_116 : i32
        %parallel_loop3A_127 = arith.select %parallel_loop3A_125, %parallel_loop3A_126, %parallel_loop3A_117 : i32
        %parallel_loop3A_128 = arith.constant 16 : i32
        %parallel_loop3A_129 = arith.muli %parallel_loop3A_127, %parallel_loop3A_128 : i32
        %parallel_loop3A_130 = arith.index_cast %parallel_loop3A_111 : i32 to index
        %parallel_loop3A_131 = arith.index_cast %parallel_loop3A_129 : i32 to index
        %parallel_loop3A_132 = tpu.vector_load %arg6[%parallel_loop3A_130, %parallel_loop3A_131] {strides = array<i32>} : memref<32x512xi32, #tpu.memory_space<vmem>>, vector<16xi32>,
        %parallel_loop3A_133 = arith.index_cast %parallel_loop3A_111 : i32 to index
        %parallel_loop3A_134 = arith.index_cast %parallel_loop3A_129 : i32 to index
        %parallel_loop3A_135 = tpu.vector_load %arg8[%parallel_loop3A_133, %parallel_loop3A_134] {strides = array<i32>} : memref<32x512xi32, #tpu.memory_space<vmem>>, vector<16xi32>,
        %parallel_loop3A_136 = arith.constant 27 : i32
        %parallel_loop3A_137 = vector.broadcast %parallel_loop3A_136 : i32 to vector<16xi32>
        %parallel_loop3A_138 = arith.muli %parallel_loop3A_135, %parallel_loop3A_137 : vector<16xi32>
        %parallel_loop3A_139 = arith.addi %parallel_loop3A_138, %parallel_loop3A_132 : vector<16xi32>
        %parallel_loop3A_140 = arith.addi %mul3A_8, %parallel_loop3A_139 : vector<16xi32>
        tpu.vector_store_idx %arg9[%parallel_loop3A_140], %broadcast_in_dim3A_5 {add = true} : memref<11776xi32, #tpu.memory_space<vmem>>[vector<16xi32>], vector<16xi32>,
      } {sc.loop_unroll_factor = 12 : i64, sc.parallel_access}
    }
    %scan3A_28 = arith.constant 4 : i32
    %scan3A_29 = arith.constant 0 : i32
    %scan3A_30 = arith.constant 0 : i32
    %scan3A_31 = arith.constant 46 : i32
    %scan3A_32 = arith.addi %scan3A_30, %scan3A_31 : i32
    %scan3A_33 = arith.constant 1 : i32
    scf.for %scan3A_39 = %scan3A_30 to %scan3A_32 step %scan3A_33  : i32 {
      %mul3A_40 = arith.constant 16 : i32
      %mul3A_41 = arith.muli %scan3A_39, %mul3A_40 : i32
      %get3A = arith.index_cast %mul3A_41 : i32 to index
      %get3A_42 = tpu.vector_load %arg9[%get3A] {strides = array<i32>} : memref<11776xi32, #tpu.memory_space<vmem>>, vector<16xi32>,
      %add3A_43 = arith.constant 736 : i32
      %add3A_44 = arith.addi %add3A_43, %mul3A_41 : i32
      %get3A_45 = arith.index_cast %add3A_44 : i32 to index
      %get3A_46 = tpu.vector_load %arg9[%get3A_45] {strides = array<i32>} : memref<11776xi32, #tpu.memory_space<vmem>>, vector<16xi32>,
      %add3A_47 = arith.addi %get3A_42, %get3A_46 : vector<16xi32>
      %add3A_48 = arith.constant 1472 : i32
      %add3A_49 = arith.addi %add3A_48, %mul3A_41 : i32
      %get3A_50 = arith.index_cast %add3A_49 : i32 to index
      %get3A_51 = tpu.vector_load %arg9[%get3A_50] {strides = array<i32>} : memref<11776xi32, #tpu.memory_space<vmem>>, vector<16xi32>,
      %add3A_52 = arith.addi %add3A_47, %get3A_51 : vector<16xi32>
      %add3A_53 = arith.constant 2208 : i32
      %add3A_54 = arith.addi %add3A_53, %mul3A_41 : i32
      %get3A_55 = arith.index_cast %add3A_54 : i32 to index
      %get3A_56 = tpu.vector_load %arg9[%get3A_55] {strides = array<i32>} : memref<11776xi32, #tpu.memory_space<vmem>>, vector<16xi32>,
      %add3A_57 = arith.addi %add3A_52, %get3A_56 : vector<16xi32>
      %add3A_58 = arith.constant 2944 : i32
      %add3A_59 = arith.addi %add3A_58, %mul3A_41 : i32
      %get3A_60 = arith.index_cast %add3A_59 : i32 to index
      %get3A_61 = tpu.vector_load %arg9[%get3A_60] {strides = array<i32>} : memref<11776xi32, #tpu.memory_space<vmem>>, vector<16xi32>,
      %add3A_62 = arith.addi %add3A_57, %get3A_61 : vector<16xi32>
      %add3A_63 = arith.constant 3680 : i32
      %add3A_64 = arith.addi %add3A_63, %mul3A_41 : i32
      %get3A_65 = arith.index_cast %add3A_64 : i32 to index
      %get3A_66 = tpu.vector_load %arg9[%get3A_65] {strides = array<i32>} : memref<11776xi32, #tpu.memory_space<vmem>>, vector<16xi32>,
      %add3A_67 = arith.addi %add3A_62, %get3A_66 : vector<16xi32>
      %add3A_68 = arith.constant 4416 : i32
      %add3A_69 = arith.addi %add3A_68, %mul3A_41 : i32
      %get3A_70 = arith.index_cast %add3A_69 : i32 to index
      %get3A_71 = tpu.vector_load %arg9[%get3A_70] {strides = array<i32>} : memref<11776xi32, #tpu.memory_space<vmem>>, vector<16xi32>,
      %add3A_72 = arith.addi %add3A_67, %get3A_71 : vector<16xi32>
      %add3A_73 = arith.constant 5152 : i32
      %add3A_74 = arith.addi %add3A_73, %mul3A_41 : i32
      %get3A_75 = arith.index_cast %add3A_74 : i32 to index
      %get3A_76 = tpu.vector_load %arg9[%get3A_75] {strides = array<i32>} : memref<11776xi32, #tpu.memory_space<vmem>>, vector<16xi32>,
      %add3A_77 = arith.addi %add3A_72, %get3A_76 : vector<16xi32>
      %add3A_78 = arith.constant 5888 : i32
      %add3A_79 = arith.addi %add3A_78, %mul3A_41 : i32
      %get3A_80 = arith.index_cast %add3A_79 : i32 to index
      %get3A_81 = tpu.vector_load %arg9[%get3A_80] {strides = array<i32>} : memref<11776xi32, #tpu.memory_space<vmem>>, vector<16xi32>,
      %add3A_82 = arith.addi %add3A_77, %get3A_81 : vector<16xi32>
      %add3A_83 = arith.constant 6624 : i32
      %add3A_84 = arith.addi %add3A_83, %mul3A_41 : i32
      %get3A_85 = arith.index_cast %add3A_84 : i32 to index
      %get3A_86 = tpu.vector_load %arg9[%get3A_85] {strides = array<i32>} : memref<11776xi32, #tpu.memory_space<vmem>>, vector<16xi32>,
      %add3A_87 = arith.addi %add3A_82, %get3A_86 : vector<16xi32>
      %add3A_88 = arith.constant 7360 : i32
      %add3A_89 = arith.addi %add3A_88, %mul3A_41 : i32
      %get3A_90 = arith.index_cast %add3A_89 : i32 to index
      %get3A_91 = tpu.vector_load %arg9[%get3A_90] {strides = array<i32>} : memref<11776xi32, #tpu.memory_space<vmem>>, vector<16xi32>,
      %add3A_92 = arith.addi %add3A_87, %get3A_91 : vector<16xi32>
      %add3A_93 = arith.constant 8096 : i32
      %add3A_94 = arith.addi %add3A_93, %mul3A_41 : i32
      %get3A_95 = arith.index_cast %add3A_94 : i32 to index
      %get3A_96 = tpu.vector_load %arg9[%get3A_95] {strides = array<i32>} : memref<11776xi32, #tpu.memory_space<vmem>>, vector<16xi32>,
      %add3A_97 = arith.addi %add3A_92, %get3A_96 : vector<16xi32>
      %add3A_98 = arith.constant 8832 : i32
      %add3A_99 = arith.addi %add3A_98, %mul3A_41 : i32
      %get3A_100 = arith.index_cast %add3A_99 : i32 to index
      %get3A_101 = tpu.vector_load %arg9[%get3A_100] {strides = array<i32>} : memref<11776xi32, #tpu.memory_space<vmem>>, vector<16xi32>,
      %add3A_102 = arith.addi %add3A_97, %get3A_101 : vector<16xi32>
      %add3A_103 = arith.constant 9568 : i32
      %add3A_104 = arith.addi %add3A_103, %mul3A_41 : i32
      %get3A_105 = arith.index_cast %add3A_104 : i32 to index
      %get3A_106 = tpu.vector_load %arg9[%get3A_105] {strides = array<i32>} : memref<11776xi32, #tpu.memory_space<vmem>>, vector<16xi32>,
      %add3A_107 = arith.addi %add3A_102, %get3A_106 : vector<16xi32>
      %add3A_108 = arith.constant 10304 : i32
      %add3A_109 = arith.addi %add3A_108, %mul3A_41 : i32
      %get3A_110 = arith.index_cast %add3A_109 : i32 to index
      %get3A_111 = tpu.vector_load %arg9[%get3A_110] {strides = array<i32>} : memref<11776xi32, #tpu.memory_space<vmem>>, vector<16xi32>,
      %add3A_112 = arith.addi %add3A_107, %get3A_111 : vector<16xi32>
      %add3A_113 = arith.constant 11040 : i32
      %add3A_114 = arith.addi %add3A_113, %mul3A_41 : i32
      %get3A_115 = arith.index_cast %add3A_114 : i32 to index
      %get3A_116 = tpu.vector_load %arg9[%get3A_115] {strides = array<i32>} : memref<11776xi32, #tpu.memory_space<vmem>>, vector<16xi32>,
      %add3A_117 = arith.addi %add3A_112, %get3A_116 : vector<16xi32>
      %swap3A = arith.index_cast %mul3A_41 : i32 to index
      %swap3A_118 = tpu.vector_load %arg10[%swap3A] {strides = array<i32>} : memref<736xi32, #tpu.memory_space<vmem>>, vector<16xi32>,
      tpu.vector_store %arg10[%swap3A], %add3A_117 {strides = array<i32>} : memref<736xi32, #tpu.memory_space<vmem>>, vector<16xi32>,
    }
    %scan3A_34 = arith.constant 46 : i32
    %mul3A_35 = arith.constant 736 : i32
    %mul3A_36 = arith.muli %arg1, %mul3A_35 : i32
    "tpu.region"() ({
      %run_scoped3A = tpu.sem_alloc : memref<!tpu.dma_semaphore, #tpu.memory_space<semaphore_mem>>
      %dma_start3A_39 = tpu.memref_slice %arg12[%mul3A_36] : memref<11776xi32, #tpu.memory_space<vmem_shared>> -> memref<736xi32, #tpu.memory_space<vmem_shared>>
      %dma_start3A_40 = tpu.memref_slice %arg12[%mul3A_36] : memref<11776xi32, #tpu.memory_space<vmem_shared>> -> memref<736xi32, #tpu.memory_space<vmem_shared>>
      tpu.enqueue_dma source(%arg10 : memref<736xi32, #tpu.memory_space<vmem>>) target(%dma_start3A_40 : memref<736xi32, #tpu.memory_space<vmem_shared>>) target_semaphore(%run_scoped3A : memref<!tpu.dma_semaphore, #tpu.memory_space<semaphore_mem>>)
      %dma_wait3A = tpu.memref_slice %arg12[%mul3A_36] : memref<11776xi32, #tpu.memory_space<vmem_shared>> -> memref<736xi32, #tpu.memory_space<vmem_shared>>
      %dma_wait3A_41 = tpu.memref_slice %arg12[%mul3A_36] : memref<11776xi32, #tpu.memory_space<vmem_shared>> -> memref<736xi32, #tpu.memory_space<vmem_shared>>
      tpu.wait_dma2 semaphore(%run_scoped3A : memref<!tpu.dma_semaphore, #tpu.memory_space<semaphore_mem>>) src(%arg10 : memref<736xi32, #tpu.memory_space<vmem>>) dst(%dma_wait3A_41 : memref<736xi32, #tpu.memory_space<vmem_shared>>)
      tpu.yield
    }) : () -> ()
    %barrier3A = arith.constant 0 : index
    tpu.barrier barrier_id(%barrier3A)
    %eq3A = arith.constant 0 : i32
    %eq3A_37 = arith.cmpi eq, %arg1, %eq3A : i32
    %convert_element_type3A = arith.extui %eq3A_37 : i1 to i32
    %cond3A = arith.constant 0 : i32
    %cond3A_38 = arith.cmpi ne, %convert_element_type3A, %cond3A : i32
    scf.if %cond3A_38 {
      "tpu.region"() ({
        %run_scoped3A = tpu.sem_alloc : memref<!tpu.dma_semaphore, #tpu.memory_space<semaphore_mem>>
        tpu.enqueue_dma source(%arg12 : memref<11776xi32, #tpu.memory_space<vmem_shared>>) target(%arg11 : memref<11776xi32, #tpu.memory_space<vmem>>) target_semaphore(%run_scoped3A : memref<!tpu.dma_semaphore, #tpu.memory_space<semaphore_mem>>)
        tpu.wait_dma2 semaphore(%run_scoped3A : memref<!tpu.dma_semaphore, #tpu.memory_space<semaphore_mem>>) src(%arg12 : memref<11776xi32, #tpu.memory_space<vmem_shared>>) dst(%arg11 : memref<11776xi32, #tpu.memory_space<vmem>>)
        tpu.yield
      }) : () -> ()
      %scan3A_39 = arith.constant 0 : i32
      %scan3A_40 = arith.constant 0 : i32
      %scan3A_41 = arith.constant 46 : i32
      %scan3A_42 = arith.addi %scan3A_40, %scan3A_41 : i32
      %scan3A_43 = arith.constant 1 : i32
      scf.for %scan3A_45 = %scan3A_40 to %scan3A_42 step %scan3A_43  : i32 {
        %mul3A_46 = arith.constant 16 : i32
        %mul3A_47 = arith.muli %scan3A_45, %mul3A_46 : i32
        %get3A = arith.index_cast %mul3A_47 : i32 to index
        %get3A_48 = tpu.vector_load %arg11[%get3A] {strides = array<i32>} : memref<11776xi32, #tpu.memory_space<vmem>>, vector<16xi32>,
        %add3A_49 = arith.constant 736 : i32
        %add3A_50 = arith.addi %add3A_49, %mul3A_47 : i32
        %get3A_51 = arith.index_cast %add3A_50 : i32 to index
        %get3A_52 = tpu.vector_load %arg11[%get3A_51] {strides = array<i32>} : memref<11776xi32, #tpu.memory_space<vmem>>, vector<16xi32>,
        %add3A_53 = arith.addi %get3A_48, %get3A_52 : vector<16xi32>
        %add3A_54 = arith.constant 1472 : i32
        %add3A_55 = arith.addi %add3A_54, %mul3A_47 : i32
        %get3A_56 = arith.index_cast %add3A_55 : i32 to index
        %get3A_57 = tpu.vector_load %arg11[%get3A_56] {strides = array<i32>} : memref<11776xi32, #tpu.memory_space<vmem>>, vector<16xi32>,
        %add3A_58 = arith.addi %add3A_53, %get3A_57 : vector<16xi32>
        %add3A_59 = arith.constant 2208 : i32
        %add3A_60 = arith.addi %add3A_59, %mul3A_47 : i32
        %get3A_61 = arith.index_cast %add3A_60 : i32 to index
        %get3A_62 = tpu.vector_load %arg11[%get3A_61] {strides = array<i32>} : memref<11776xi32, #tpu.memory_space<vmem>>, vector<16xi32>,
        %add3A_63 = arith.addi %add3A_58, %get3A_62 : vector<16xi32>
        %add3A_64 = arith.constant 2944 : i32
        %add3A_65 = arith.addi %add3A_64, %mul3A_47 : i32
        %get3A_66 = arith.index_cast %add3A_65 : i32 to index
        %get3A_67 = tpu.vector_load %arg11[%get3A_66] {strides = array<i32>} : memref<11776xi32, #tpu.memory_space<vmem>>, vector<16xi32>,
        %add3A_68 = arith.addi %add3A_63, %get3A_67 : vector<16xi32>
        %add3A_69 = arith.constant 3680 : i32
        %add3A_70 = arith.addi %add3A_69, %mul3A_47 : i32
        %get3A_71 = arith.index_cast %add3A_70 : i32 to index
        %get3A_72 = tpu.vector_load %arg11[%get3A_71] {strides = array<i32>} : memref<11776xi32, #tpu.memory_space<vmem>>, vector<16xi32>,
        %add3A_73 = arith.addi %add3A_68, %get3A_72 : vector<16xi32>
        %add3A_74 = arith.constant 4416 : i32
        %add3A_75 = arith.addi %add3A_74, %mul3A_47 : i32
        %get3A_76 = arith.index_cast %add3A_75 : i32 to index
        %get3A_77 = tpu.vector_load %arg11[%get3A_76] {strides = array<i32>} : memref<11776xi32, #tpu.memory_space<vmem>>, vector<16xi32>,
        %add3A_78 = arith.addi %add3A_73, %get3A_77 : vector<16xi32>
        %add3A_79 = arith.constant 5152 : i32
        %add3A_80 = arith.addi %add3A_79, %mul3A_47 : i32
        %get3A_81 = arith.index_cast %add3A_80 : i32 to index
        %get3A_82 = tpu.vector_load %arg11[%get3A_81] {strides = array<i32>} : memref<11776xi32, #tpu.memory_space<vmem>>, vector<16xi32>,
        %add3A_83 = arith.addi %add3A_78, %get3A_82 : vector<16xi32>
        %add3A_84 = arith.constant 5888 : i32
        %add3A_85 = arith.addi %add3A_84, %mul3A_47 : i32
        %get3A_86 = arith.index_cast %add3A_85 : i32 to index
        %get3A_87 = tpu.vector_load %arg11[%get3A_86] {strides = array<i32>} : memref<11776xi32, #tpu.memory_space<vmem>>, vector<16xi32>,
        %add3A_88 = arith.addi %add3A_83, %get3A_87 : vector<16xi32>
        %add3A_89 = arith.constant 6624 : i32
        %add3A_90 = arith.addi %add3A_89, %mul3A_47 : i32
        %get3A_91 = arith.index_cast %add3A_90 : i32 to index
        %get3A_92 = tpu.vector_load %arg11[%get3A_91] {strides = array<i32>} : memref<11776xi32, #tpu.memory_space<vmem>>, vector<16xi32>,
        %add3A_93 = arith.addi %add3A_88, %get3A_92 : vector<16xi32>
        %add3A_94 = arith.constant 7360 : i32
        %add3A_95 = arith.addi %add3A_94, %mul3A_47 : i32
        %get3A_96 = arith.index_cast %add3A_95 : i32 to index
        %get3A_97 = tpu.vector_load %arg11[%get3A_96] {strides = array<i32>} : memref<11776xi32, #tpu.memory_space<vmem>>, vector<16xi32>,
        %add3A_98 = arith.addi %add3A_93, %get3A_97 : vector<16xi32>
        %add3A_99 = arith.constant 8096 : i32
        %add3A_100 = arith.addi %add3A_99, %mul3A_47 : i32
        %get3A_101 = arith.index_cast %add3A_100 : i32 to index
        %get3A_102 = tpu.vector_load %arg11[%get3A_101] {strides = array<i32>} : memref<11776xi32, #tpu.memory_space<vmem>>, vector<16xi32>,
        %add3A_103 = arith.addi %add3A_98, %get3A_102 : vector<16xi32>
        %add3A_104 = arith.constant 8832 : i32
        %add3A_105 = arith.addi %add3A_104, %mul3A_47 : i32
        %get3A_106 = arith.index_cast %add3A_105 : i32 to index
        %get3A_107 = tpu.vector_load %arg11[%get3A_106] {strides = array<i32>} : memref<11776xi32, #tpu.memory_space<vmem>>, vector<16xi32>,
        %add3A_108 = arith.addi %add3A_103, %get3A_107 : vector<16xi32>
        %add3A_109 = arith.constant 9568 : i32
        %add3A_110 = arith.addi %add3A_109, %mul3A_47 : i32
        %get3A_111 = arith.index_cast %add3A_110 : i32 to index
        %get3A_112 = tpu.vector_load %arg11[%get3A_111] {strides = array<i32>} : memref<11776xi32, #tpu.memory_space<vmem>>, vector<16xi32>,
        %add3A_113 = arith.addi %add3A_108, %get3A_112 : vector<16xi32>
        %add3A_114 = arith.constant 10304 : i32
        %add3A_115 = arith.addi %add3A_114, %mul3A_47 : i32
        %get3A_116 = arith.index_cast %add3A_115 : i32 to index
        %get3A_117 = tpu.vector_load %arg11[%get3A_116] {strides = array<i32>} : memref<11776xi32, #tpu.memory_space<vmem>>, vector<16xi32>,
        %add3A_118 = arith.addi %add3A_113, %get3A_117 : vector<16xi32>
        %add3A_119 = arith.constant 11040 : i32
        %add3A_120 = arith.addi %add3A_119, %mul3A_47 : i32
        %get3A_121 = arith.index_cast %add3A_120 : i32 to index
        %get3A_122 = tpu.vector_load %arg11[%get3A_121] {strides = array<i32>} : memref<11776xi32, #tpu.memory_space<vmem>>, vector<16xi32>,
        %add3A_123 = arith.addi %add3A_118, %get3A_122 : vector<16xi32>
        %swap3A = arith.index_cast %mul3A_47 : i32 to index
        %swap3A_124 = tpu.vector_load %arg10[%swap3A] {strides = array<i32>} : memref<736xi32, #tpu.memory_space<vmem>>, vector<16xi32>,
        tpu.vector_store %arg10[%swap3A], %add3A_123 {strides = array<i32>} : memref<736xi32, #tpu.memory_space<vmem>>, vector<16xi32>,
      }
      %scan3A_44 = arith.constant 46 : i32
      "tpu.region"() ({
        %run_scoped3A = tpu.sem_alloc : memref<!tpu.dma_semaphore, #tpu.memory_space<semaphore_mem>>
        %dma_start3A_45 = arith.constant 0 : i32
        %dma_start3A_46 = tpu.memref_slice %arg4[%arg0, %dma_start3A_45] : memref<2x736xi32, #tpu.memory_space<hbm>> -> memref<1x736xi32, #tpu.memory_space<hbm>>
        %dma_start3A_47 = tpu.memref_squeeze %dma_start3A_46 : memref<1x736xi32, #tpu.memory_space<hbm>> -> memref<736xi32, #tpu.memory_space<hbm>>
        %dma_start3A_48 = arith.constant 0 : i32
        %dma_start3A_49 = tpu.memref_slice %arg4[%arg0, %dma_start3A_48] : memref<2x736xi32, #tpu.memory_space<hbm>> -> memref<1x736xi32, #tpu.memory_space<hbm>>
        %dma_start3A_50 = tpu.memref_squeeze %dma_start3A_49 : memref<1x736xi32, #tpu.memory_space<hbm>> -> memref<736xi32, #tpu.memory_space<hbm>>
        tpu.enqueue_dma source(%arg10 : memref<736xi32, #tpu.memory_space<vmem>>) target(%dma_start3A_50 : memref<736xi32, #tpu.memory_space<hbm>>) target_semaphore(%run_scoped3A : memref<!tpu.dma_semaphore, #tpu.memory_space<semaphore_mem>>)
        %dma_wait3A = arith.constant 0 : i32
        %dma_wait3A_51 = tpu.memref_slice %arg4[%arg0, %dma_wait3A] : memref<2x736xi32, #tpu.memory_space<hbm>> -> memref<1x736xi32, #tpu.memory_space<hbm>>
        %dma_wait3A_52 = tpu.memref_squeeze %dma_wait3A_51 : memref<1x736xi32, #tpu.memory_space<hbm>> -> memref<736xi32, #tpu.memory_space<hbm>>
        %dma_wait3A_53 = arith.constant 0 : i32
        %dma_wait3A_54 = tpu.memref_slice %arg4[%arg0, %dma_wait3A_53] : memref<2x736xi32, #tpu.memory_space<hbm>> -> memref<1x736xi32, #tpu.memory_space<hbm>>
        %dma_wait3A_55 = tpu.memref_squeeze %dma_wait3A_54 : memref<1x736xi32, #tpu.memory_space<hbm>> -> memref<736xi32, #tpu.memory_space<hbm>>
        tpu.wait_dma2 semaphore(%run_scoped3A : memref<!tpu.dma_semaphore, #tpu.memory_space<semaphore_mem>>) src(%arg10 : memref<736xi32, #tpu.memory_space<vmem>>) dst(%dma_wait3A_55 : memref<736xi32, #tpu.memory_space<hbm>>)
        tpu.yield
      }) : () -> ()
    } else {
    }
    return
  }
}

</mosaic_0001>

<sc_bundles>
// kernel: kernel.3.cloned.1.call-start
scs
__scs_entry_jumppad:
0x0: {  	(pc) =	sbr.rel $0x88, $3  }
0x1: {  	(tag) =	ssettag $0x0;
	lr =	simm.s32 $0x1  }
0x2: {  	[smem:$0x3F9E] =	sst lr;
	_ =	strace $0xD0000000  }
0x3: {  	_ = 	snop  }
0x4: {  	_ = 	snop  }
0x5: {  	_ = 	snop  }
0x6: {  	_ = 	snop  }
0x7: {  	_ = 	snop  }
__scs_overlays_trampoline_lowered:
0x8: {  	[smem:$0x3FAD] =	sst s0  }
0x9: {  	[smem:$0x3FAE] =	sst s1  }
0xa: {  	[smem:$0x3FAF] =	sst s2  }
0xb: {  	[smem:$0x3FB0] =	sst s3  }
0xc: {  	[smem:$0x3FB1] =	sst s4  }
0xd: {  	[smem:$0x3FB2] =	sst s5  }
0xe: {  	[smem:$0x3FB3] =	sst s6  }
0xf: {  	[smem:$0x3FB4] =	sst s7  }
0x10: {  	[smem:$0x3FB5] =	sst s8  }
0x11: {  	[smem:$0x3FB6] =	sst s9;
	s0 =	simm.s32 @!p0 $0x0  }
0x12: {  	s1 =	sld [smem:$0x3F9C];
	s0 =	simm.s32 @p0 $0x1  }
0x13: {  	[smem:$0x3FB7] =	sst s0;
	s0 =	simm.s32 @!p1 $0x0  }
0x14: {  	s2 =	sld [smem:$0x3F9B];
	s0 =	simm.s32 @p1 $0x1  }
0x15: {  	[smem:$0x3FB8] =	sst s0;
	s0 =	simm.s32 @!p2 $0x0  }
0x16: {  	s3 =	sld [smem:$0x3FDB];
	s0 =	simm.s32 @p2 $0x1  }
0x17: {  	s4 =	simm.s32 $0x1BF5;
	[smem:$0x3FBA] =	sst s0  }
0x18: {  	s0 =	sld [smem:$0x3F9D];
	_ =	swait.ge [sflag:s4], $0x0  }
0x19: {  	s7 =	sld [smem:$0x3F9E]  }
0x1a: {  	s8 =	sadd.s32 $0xFFFFE003, lr  }
0x1b: {  	s9 =	sadd.s32 $0xFFFFFEF7, lr;
	s5 =	simm.s32 $0xFFFFFFFF;
	p2 =	slt.u32 s8, $0xFFFFF086  }
0x1c: {  	p1 =	slt.u32 s9, $0xF7A;
	s5 =	simm.s32 @!p2 $0x0  }
0x1d: {  	s5 =	simm.s32 @p1 $0x1;
	p0 =	seq.s32 s7, s2  }
0x1e: {  	s7 =	smul.u32 @!p0 $0xF7A, s2;
	p2 =	seq.s32 @!p0 s5, $0x0  }
0x1f: {  	s9 =	smul.u32 $0xF7A, s1;
	s8 =	simm.s32 @!p0 $0x1BF5;
	p2 =	por !p2, p0  }
0x20: {  	[sflag:s8] =	ssyncset.s32 @!p0 $0xFFFFF086;
	s6 =	sadd.s32 @!p0 s3, s7;
	s7 =	simm.s32 @!p0 $0x108  }
0x21: {  	s3 =	sadd.s32 s3, s9;
	s6 =	sadd.s32 @!p0 $0x88, s6;
	s7 =	simm.s32 @p2 $0x1082  }
0x22: {  	[simem:s7], [sflag:s8] =	dma.local @!p0 [hbm:s6], $0xF7A  }
0x23: {  	s9 =	sor.u32 $0xD0000000, s2;
	s6 =	simm.s32 $0x108;
	_ =	swait.ge @!p0 [sflag:s8], $0x0  }
0x24: {  	s3 =	sadd.s32 $0x88, s3;
	s6 =	simm.s32 @!p1 $0x1082;
	[sflag:s4] =	ssyncset.s32 $0xFFFFF086  }
0x25: {  	[simem:s6], [sflag:s4] =	dma.local [hbm:s3], $0xF7A  }
0x26: {  	[smem:$0x3F9E] =	sst s1;
	(tag) =	ssettag s2;
	_ =	strace s9  }
0x27: {  	s1 =	sld [smem:$0x3FAE]  }
0x28: {  	s2 =	sld [smem:$0x3FAF]  }
0x29: {  	s4 =	sld [smem:$0x3FB1]  }
0x2a: {  	p0 =	seq.s32 s5, $0x0;
	s5 =	sld [smem:$0x3FB2]  }
0x2b: {  	s6 =	sld [smem:$0x3FB3]  }
0x2c: {  	s7 =	sld [smem:$0x3FB4]  }
0x2d: {  	s3 =	simm.s32 $0x108;
	s8 =	sld [smem:$0x3FB5]  }
0x2e: {  	s3 =	simm.s32 @!p0 $0x1082;
	s9 =	sld [smem:$0x3FB6]  }
0x2f: {  	lr =	sadd.s32 s0, s3;
	s0 =	sld [smem:$0x3FAD]  }
0x30: {  	s3 =	sld [smem:$0x3FB0]  }
0x31: {  	[smem:$0x3FB9] =	sst s10  }
0x32: {  	s10 =	sld [smem:$0x3FB7];
	_ =	sdelay $0x3  }
0x33: {  	p0 =	seq.s32 s10, $0x1;
	s10 =	sld [smem:$0x3FB9];
	_ =	sdelay $0x3  }
0x34: {  	[smem:$0x3FB9] =	sst s10  }
0x35: {  	s10 =	sld [smem:$0x3FB8];
	_ =	sdelay $0x3  }
0x36: {  	p1 =	seq.s32 s10, $0x1;
	s10 =	sld [smem:$0x3FB9];
	_ =	sdelay $0x3  }
0x37: {  	[smem:$0x3FB9] =	sst s10  }
0x38: {  	s10 =	sld [smem:$0x3FBA]  }
0x39: {  	_ = 	snop;
	(pc) =	sbr.ind lr, $3  }
0x3a: {  	_ = 	snop  }
0x3b: {  	_ = 	snop  }
0x3c: {  	p2 =	seq.s32 s10, $0x1;
	s10 =	sld [smem:$0x3FB9]  }
0x3d: {  	_ =	shalt  }
0x3e: {  	_ =	shalt  }
0x3f: {  	_ =	shalt  }
0x40: {  	_ =	shalt  }
0x41: {  	_ =	shalt  }
0x42: {  	_ =	shalt  }
0x43: {  	_ =	shalt  }
0x44: {  	_ =	shalt  }
0x45: {  	_ =	shalt  }
0x46: {  	_ =	shalt  }
0x47: {  	_ =	shalt  }
0x48: {  	_ =	shalt  }
0x49: {  	_ =	shalt  }
0x4a: {  	_ =	shalt  }
0x4b: {  	_ =	shalt  }
0x4c: {  	_ =	shalt  }
0x4d: {  	_ =	shalt  }
0x4e: {  	_ =	shalt  }
0x4f: {  	_ =	shalt  }
0x50: {  	_ =	shalt  }
0x51: {  	_ =	shalt  }
0x52: {  	_ =	shalt  }
0x53: {  	_ =	shalt  }
0x54: {  	_ =	shalt  }
0x55: {  	_ =	shalt  }
0x56: {  	_ =	shalt  }
0x57: {  	_ =	shalt  }
0x58: {  	_ =	shalt  }
0x59: {  	_ =	shalt  }
0x5a: {  	_ =	shalt  }
0x5b: {  	_ =	shalt  }
0x5c: {  	_ =	shalt  }
0x5d: {  	_ =	shalt  }
0x5e: {  	_ =	shalt  }
0x5f: {  	_ =	shalt  }
0x60: {  	_ =	shalt  }
0x61: {  	_ =	shalt  }
0x62: {  	_ =	shalt  }
0x63: {  	_ =	shalt  }
0x64: {  	_ =	shalt  }
0x65: {  	_ =	shalt  }
0x66: {  	_ =	shalt  }
0x67: {  	_ =	shalt  }
0x68: {  	_ =	shalt  }
0x69: {  	_ =	shalt  }
0x6a: {  	_ =	shalt  }
0x6b: {  	_ =	shalt  }
0x6c: {  	_ =	shalt  }
0x6d: {  	_ =	shalt  }
0x6e: {  	_ =	shalt  }
0x6f: {  	_ =	shalt  }
0x70: {  	_ =	shalt  }
0x71: {  	_ =	shalt  }
0x72: {  	_ =	shalt  }
0x73: {  	_ =	shalt  }
0x74: {  	_ =	shalt  }
0x75: {  	_ =	shalt  }
0x76: {  	_ =	shalt  }
0x77: {  	_ =	shalt  }
0x78: {  	_ =	shalt  }
0x79: {  	_ =	shalt  }
0x7a: {  	_ =	shalt  }
0x7b: {  	_ =	shalt  }
0x7c: {  	_ =	shalt  }
0x7d: {  	_ =	shalt  }
0x7e: {  	_ =	shalt  }
0x7f: {  	_ =	shalt  }
0x80: {  	_ =	shalt  }
0x81: {  	_ =	shalt  }
0x82: {  	_ =	shalt  }
0x83: {  	_ =	shalt  }
0x84: {  	_ =	shalt  }
0x85: {  	_ =	shalt  }
0x86: {  	_ =	shalt  }
0x87: {  	_ =	shalt  }
.Lfunc_end0:
.L_simem_size_0:
called_computation_lowered:
.L_overlay_start_0:
0x88: {  	s2 =	sld [smem:$0x3FD9]  }
0x89: {  	s3 =	sld [smem:$0x3FFE];
	_ =	sdelay $0x1  }
0x8a: {  	s1 =	srdreg.scid  }
0x8b: {  	s0 =	sand.u32 $0x1, s1  }
0x8c: {  	s18 =	sshll.u32 s0, $0xA;
	s2 =	sadd.s32 s3, s2  }
0x8d: {  	s2 =	sadd.s32 s2, s18  }
0x8e: {  	[smem:$0x3FC5] =	sst s2  }
0x8f: {  	_ = 	snop  }
0x90: {  	s2 =	sld [smem:$0x3FC9]  }
0x91: {  	s19 =	sld [smem:$0x3FC8]  }
0x92: {  	s4 =	sld [smem:$0x3FD0];
	(tm) =	ssettm $0x1  }
0x93: {  	s5 =	sld [smem:$0x3FFB];
	_ =	sdelay $0x3  }
0x94: {  	_ =	strace s5  }
0x95: {  	s5 =	sld [smem:$0x3FFC];
	_ =	sdelay $0x3  }
0x96: {  	_ =	strace s5  }
0x97: {  	s5 =	sld [smem:$0x3FFD];
	_ =	sdelay $0x3  }
0x98: {  	_ =	strace s5  }
0x99: {  	_ =	strace $0x8FFFFFFF  }
0x9a: {  	s20 =	sld [smem:$0x3FDB];
	_ =	sdelay $0x1  }
0x9b: {  	s6 =	simm.s32 $_scs_section_size  }
0x9c: {  	s7 =	simm.s32 $_size__tile_overlayer_lowered;
	s8 =	simm.s32 $_tile_overlayer_lowered  }
0x9d: {  	s23 =	simm.s32 $0x1BFF;
	s22 =	sshll.u32 s8, $0x1;
	s5 =	sadd.s32 s6, s20  }
0x9e: {  	s9 =	simm.s32 $0x0;
	s21 =	sshll.u32 s7, $0x1;
	s7 =	sadd.s32 s22, s5  }
0x9f: {  	[timem:s9], [sflag:s23] =	dma.local [hbm:s7], s21  }
0xa0: {  	_ =	swait.ge [sflag:s23], s21  }
0xa1: {  	s6 =	ssub.s32 $0x0, s21;
	[sflag:s23] =	ssyncset.done $0x0  }
0xa2: {  	[sflag:s23] =	ssyncadd.s32 s6;
	_ =	sdelay $0x1  }
0xa3: {  	s24 =	simm.s32 $0x1B8B  }
0xa4: {  	_ =	swait.ge [sflag:s24], $0x1  }
0xa5: {  	[sflag:s24] =	ssyncset.done $0x0  }
0xa6: {  	s25 =	simm.s32 $0x1B8E;
	[sflag:s24] =	ssyncadd.s32 $0xFFFFFFFF  }
0xa7: {  	s26 =	simm.s32 $execute0_lowered;
	[smem:$0x3FD2] =	sst s25  }
0xa8: {  	s6 =	sshll.u32 s26, $0x1;
	_ =	strace $0x80000046;
	[dreg:$0x1] =	wrdreg $0xFFFFFFFF  }
0xa9: {  	s28 =	simm.s32 $_size_execute0_lowered;
	s5 =	sadd.s32 s5, s6;
	[dreg:$0x0] =	wrdreg $0x0  }
0xaa: {  	s6 =	sshll.u32 s28, $0x1;
	[dreg:$0x2] =	wrdreg s5  }
0xab: {  	[dreg:$0x3] =	wrdreg s6  }
0xac: {  	[dreg:$0x4] =	wrdreg $0xC0  }
0xad: {  	_ =	task [dreg:s9], $0x5FFFF  }
0xae: {  	[dreg:$0x1] =	wrdreg $0xFFFFFFFF  }
0xaf: {  	[dreg:$0x0] =	wrdreg $0x60  }
0xb0: {  	[dreg:$0x2] =	wrdreg s2  }
0xb1: {  	[dreg:$0x3] =	wrdreg s19  }
0xb2: {  	[dreg:$0x4] =	wrdreg s4  }
0xb3: {  	[dreg:$0x5] =	wrdreg $0x15F000  }
0xb4: {  	[dreg:$0x6] =	wrdreg $0x9  }
0xb5: {  	_ =	task.clear_ibuf [dreg:s9], $0x7FFFF;
	_ =	strace $0x90000046  }
0xb6: {  	s29 =	simm.s32 $0x9;
	_ =	strace $0x80000048  }
0xb7: {  	_ =	swait.ge [sflag:s29], $0x1  }
0xb8: {  	[sflag:s29] =	ssyncadd.s32 $0xFFFFFFFF  }
0xb9: {  	_ =	strace $0x90000048  }
0xba: {  	_ =	sfence  }
0xbb: {  	s30 =	sld [smem:$0x0];
	_ =	sdelay $0x2  }
0xbc: {  	s31 =	sshll.u32 s1, $0xD;
	s1 =	sshrl.u32 s1, $0x2  }
0xbd: {  	s3 =	sand.u32 $0x4000, s31;
	s1 =	sadd.s32 s1, s30  }
0xbe: {  	s0 =	sor.u32 s3, s0;
	s1 =	sshll.u32 s1, $0x11  }
0xbf: {  	s0 =	sor.u32 s1, s0  }
0xc0: {  	s0 =	sadd.s32 $0x8F2B, s0  }
0xc1: {  	[sflag:s0] =	ssyncadd.remote.s32 $0x1  }
0xc2: {  	_ =	sfence.sel $0xFFFF  }
0xc3: {  	[dreg:$0x0] =	wrdreg $0xFFFFFFFF;
	(pc) =	sbr.abs _section_cstart, $3  }
0xc4: {  	[dreg:$0x1] =	wrdreg $0xFFFFFFFF  }
0xc5: {  	_ =	task.clear_ibuf [dreg:s9], $0x2FFFF;
	_ =	strace $0x9FFFFFFF  }
0xc6: {  	(tm) =	ssettm $0x7FFFFFFF  }
0xc7: {  	_ =	shalt  }
tec
execute0_lowered:
.L_overlay_start_1:
0x0: {  	(tag) =	ssettag $0x1  }
0x1: {  	s7 =	rddreg [dreg:$0x0]  }
0x2: {  	s8 =	rddreg [dreg:$0x1]  }
0x3: {  	s0 =	rddreg [dreg:$0x2]  }
0x4: {  	s9 =	rddreg [dreg:$0x3]  }
0x5: {  	s1 =	srdreg.scid;
	s3 =	simm.s32 $0x0;
	s2 =	stileid.u32  }
0x6: {  	s1 =	sand.u32 $0x1, s1;
	[smem:$0x7FF] =	sst s3;
	s4 =	sshll.u32 s2, $0x8  }
0x7: {  	s6 =	smul.u32 $0xB80, s2;
	s25 =	sshll.u32 s1, $0xC;
	_ =	strace $0x80000047  }
0x8: {  	s5 =	ssub.s32 $0x2, s1;
	s1 =	sshll.u32 s1, $0x4;
	s10 =	sor.u32 s4, s25  }
0x9: {  	s26 =	sshrl.u32 s5, $0x1;
	s0 =	sadd.s32 s0, s1;
	[dreg:$0xf] =	wrdreg s10  }
0xa: {  	s4 =	sshll.u32 s10, $0x6;
	s29 =	sor.u32 $0x40, s10;
	[dreg:$0x14] =	wrdreg s0  }
.Ltmp0:
0xb: {  	s28 =	sadd.s32 s7, s4;
	[dreg:$0x12] =	wrdreg s29;
	(pc) =	sbr.rel .LBB2_1-.Ltmp0, $4  }
0xc: {  	s3 =	ssub.s32 s5, s26;
	s4 =	sadd.s32 s8, s4;
	[dreg:$0x10] =	wrdreg s28  }
0xd: {  	s30 =	sshrl.u32 s6, $0x2;
	s31 =	smax.u32 s3, $0x1;
	[dreg:$0x11] =	wrdreg s4  }
0xe: {  	v1 =	vlaneseq.u32;
	s4 =	sadd.s32 s30, s9;
	[dreg:$0x15] =	wrdreg s31  }
0xf: {  	v0 =	vimm.s32 $0x0;
	v2 =	vimm.s32 $0x1;
	p0 =	sne.s32 s2, $0x0;
	v1 =	vmul.u32 $0x2E0, v1;
	s1 =	simm.s32 $0x0;
	[dreg:$0x13] =	wrdreg s4  }
.LBB2_19:
0x10: {  	s1 =	sadd.s32 $0x1, s1;
	s0 =	rddreg [dreg:$0x15]  }
0x11: {  	p1 =	sne.s32 s1, s0  }
.Ltmp1:
0x12: {  	_ = 	snop;
	(pc) =	sbr.rel @!p1 .LBB2_20-.Ltmp1, $1  }
0x13: {  	_ =	sdelay $0x3  }
.LBB2_1:
0x14: {  	s0 =	simm.s32 $0x0;
	s30 =	rddreg [dreg:$0x10]  }
0x15: {  	[tilespmem:s0], [sflag:$0x1] =	stream.linear.gather [hbm4b:s30+s0], $0x4000, $0x38;
	[tilespmem:$0x161E0] =	vst v63  }
0x16: {  	s31 =	rddreg [dreg:$0x11];
	s2 =	simm.s32 $0x8000  }
0x17: {  	[tilespmem:s2], [sflag:$0x3] =	stream.linear.gather [hbm4b:s31+s0], $0x4000, $0x38;
	[tilespmem:$0x161E0] =	vst v63  }
0x18: {  	[dreg:$0x16] =	wrdreg s1;
	s0 =	simm.s32 $0x0  }
.LBB2_2:
0x19: {  	p1 =	sne.s32 s0, $0xB7C0  }
.Ltmp2:
0x1a: {  	_ = 	snop;
	(pc) =	sbr.rel @p1 .LBB2_2-.Ltmp2, $3  }
0x1b: {  	_ =	sdelay $0x1  }
0x1c: {  	s1 =	sshra.s32 s0, $0x2  }
0x1d: {  	s0 =	sadd.s32 $0x40, s0;
	[tilespmem:s1+$0x10000] =	vst v0  }
0x1e: {  	s0 =	simm.s32 $0x0  }
.LBB2_4:
0x1f: {  	[dreg:$0x17] =	wrdreg s0  }
0x20: {  	s13 =	rddreg [dreg:$0xf]  }
0x21: {  	s1 =	sshll.u32 s0, $0x6;
	s14 =	rddreg [dreg:$0x0];
	s2 =	simm.s32 $0x0  }
0x22: {  	s3 =	simm.s32 $0x4000;
	s15 =	rddreg [dreg:$0x1];
	s16 =	simm.s32 $0xC000  }
0x23: {  	s17 =	simm.s32 $0x1;
	s18 =	simm.s32 $0x3;
	s19 =	simm.s32 $0x580  }
0x24: {  	s20 =	simm.s32 $0xB0;
	s5 =	simm.s32 $0x0;
	s6 =	simm.s32 $0x0  }
0x25: {  	s7 =	simm.s32 $0x60;
	s23 =	simm.s32 $0xB80;
	s8 =	simm.s32 $0x400  }
0x26: {  	s4 =	simm.s32 $0x480;
	s9 =	simm.s32 $0x50;
	s11 =	simm.s32 $0x70  }
0x27: {  	s21 =	simm.s32 $0x380;
	s10 =	simm.s32 $0x0;
	s12 =	simm.s32 $0x40  }
0x28: {  	s22 =	simm.s32 $0x200;
	s24 =	simm.s32 $0x40;
	s25 =	simm.s32 $0x10  }
0x29: {  	s28 =	simm.s32 $0x280;
	s29 =	simm.s32 $0x80;
	s30 =	simm.s32 $0x50  }
0x2a: {  	s31 =	simm.s32 $0x300;
	[dreg:$0x18] =	wrdreg s1;
	s0 =	sor.u32 s1, s13  }
0x2b: {  	s5 =	sand.u32 $0x3000, s5;
	s13 =	sand.u32 $0xC00, s21;
	s6 =	sand.u32 $0x380, s6  }
0x2c: {  	s12 =	sand.u32 $0x40, s12;
	s26 =	sand.u32 $0x380, s25;
	s11 =	sand.u32 $0x70, s11  }
0x2d: {  	s8 =	sand.u32 $0xC00, s8;
	s7 =	sand.u32 $0x60, s7;
	s0 =	sshll.u32 s0, $0x6  }
0x2e: {  	s13 =	sor.u32 s13, s11;
	s11 =	sand.u32 $0xC00, s31;
	s0 =	sor.u32 $0x800, s0  }
0x2f: {  	s31 =	simm.s32 $0x60;
	s11 =	sor.u32 s11, s7;
	s1 =	sadd.s32 s14, s0  }
0x30: {  	s0 =	sadd.s32 s15, s0;
	s14 =	simm.s32 $0x0;
	s15 =	sand.u32 $0x40, s10  }
0x31: {  	[tilespmem:s3], [sflag:$0x2] =	stream.linear.gather [hbm4b:s1+s2], $0x4000, $0x38;
	[tilespmem:$0x161E0] =	vst v63  }
0x32: {  	s10 =	sand.u32 $0x7000, s30;
	s30 =	simm.s32 $0xB0;
	s1 =	sand.u32 $0xC00, s19  }
0x33: {  	s3 =	sand.u32 $0x70, s20;
	s14 =	sand.u32 $0xC00, s14;
	s19 =	simm.s32 $0x80  }
0x34: {  	s20 =	simm.s32 $0x1C;
	s1 =	sor.u32 s1, s3;
	s3 =	simm.s32 $0xA  }
0x35: {  	s5 =	sor.u32 s14, s5;
	s14 =	sand.u32 $0xC00, s22;
	s21 =	sand.u32 $0x7000, s19  }
0x36: {  	[tilespmem:s16], [sflag:$0x4] =	stream.linear.gather [hbm4b:s0+s2], $0x4000, $0x38;
	[tilespmem:$0x161E0] =	vst v63  }
0x37: {  	s22 =	simm.s32 $0x20;
	s0 =	simm.s32 $0x0;
	_ =	swait.ge [sflag:s17], $0x4000  }
0x38: {  	s2 =	simm.s32 $0x500;
	s5 =	sor.u32 s6, s5;
	[sflag:s17] =	ssyncset.done $0x0  }
0x39: {  	s12 =	sor.u32 s14, s12;
	s6 =	sand.u32 $0x7000, s24;
	[sflag:s17] =	ssyncadd.s32 $0xFFFFC000  }
0x3a: {  	s16 =	simm.s32 $0x90;
	s14 =	simm.s32 $0x70;
	_ =	swait.ge [sflag:s18], $0x4000  }
0x3b: {  	s24 =	sand.u32 $0xC00, s4;
	s25 =	sand.u32 $0x380, s22;
	[sflag:s18] =	ssyncset.done $0x0  }
0x3c: {  	s6 =	sor.u32 s6, s12;
	s15 =	sor.u32 s15, s5;
	[sflag:s18] =	ssyncadd.s32 $0xFFFFC000  }
0x3d: {  	s5 =	sand.u32 $0xC00, s28;
	s12 =	sand.u32 $0x40, s29;
	s28 =	sand.u32 $0x50, s16;
	v4 =	vld [tilespmem:s15+$0x10]  }
0x3e: {  	s29 =	simm.s32 $0x24;
	s6 =	sor.u32 s26, s6;
	s8 =	sor.u32 s8, s12;
	v6 =	vld [tilespmem:s15+$0x30]  }
0x3f: {  	s12 =	simm.s32 $0x2C;
	s26 =	simm.s32 $0x90;
	s17 =	sand.u32 $0x50, s9;
	v7 =	vld [tilespmem:s15+$0x0]  }
0x40: {  	s9 =	simm.s32 $0xA0;
	s8 =	sor.u32 s21, s8;
	s5 =	sor.u32 s5, s17;
	v5 =	vld [tilespmem:s15+$0x8000]  }
0x41: {  	s4 =	sand.u32 $0x7000, s26;
	s17 =	simm.s32 $0x14;
	s5 =	sor.u32 s10, s5;
	v8 =	vld [tilespmem:s15+$0x20]  }
0x42: {  	s7 =	sand.u32 $0x380, s17;
	s10 =	sand.u32 $0x7000, s14;
	s17 =	simm.s32 $0x28;
	v12 =	vld [tilespmem:s15+$0x8020]  }
0x43: {  	s18 =	simm.s32 $0x170;
	s14 =	sor.u32 s7, s5;
	s10 =	sor.u32 s10, s13;
	v11 =	vld [tilespmem:s15+$0x8030]  }
0x44: {  	s5 =	sand.u32 $0x380, s20;
	s7 =	sand.u32 $0xC00, s2;
	s2 =	sor.u32 s24, s28;
	v9 =	vld [tilespmem:s15+$0x8010]  }
0x45: {  	s20 =	simm.s32 $0x6;
	s21 =	sor.u32 s5, s10;
	s5 =	sor.u32 s25, s8;
	v3 =	vld [tilespmem:s6+$0x0];
	v10 =	vmul.u32 $0x1B, v5  }
0x46: {  	s2 =	sor.u32 s4, s2;
	s8 =	sand.u32 $0x380, s29;
	s4 =	sand.u32 $0x7000, s30;
	v5 =	vld [tilespmem:s21+$0x8000]  }
0x47: {  	s8 =	sor.u32 s8, s2;
	s1 =	sor.u32 s4, s1;
	s4 =	sand.u32 $0x7000, s31;
	v12 =	vmul.u32 $0x1B, v12;
	v10 =	vadd.s32 v10, v7;
	v7 =	vld [tilespmem:s5+$0x0]  }
.LBB2_5:
0x48: {  	s9 =	sand.u32 $0x60, s9;
	s10 =	sshll.u32 s3, $0x4  }
0x49: {  	s25 =	smov.u32 s0;
	s0 =	sadd.s32 $0xC, s0;
	s2 =	smov.u32 s18  }
0x4a: {  	v13 =	vld [tilespmem:s14+$0x8000];
	s13 =	smov.u32 s23;
	s15 =	sadd.s32 $0xC0, s18;
	s4 =	sor.u32 s4, s11  }
0x4b: {  	v10 =	vadd.s32 v1, v10;
	v14 =	vld [tilespmem:s8+$0x8000];
	s23 =	sadd.s32 $0x600, s23;
	s22 =	simm.s32 $0x10000;
	s18 =	sshll.u32 s20, $0x2  }
0x4c: {  	v17 =	vld [tilespmem:s6+$0x8000];
	s19 =	sand.u32 $0x380, s12;
	s16 =	sshll.u32 s0, $0x4;
	s31 =	sshll.u32 s0, $0x2;
	v11 =	vmul.u32 $0x1B, v11  }
0x4d: {  	s10 =	sand.u32 $0x7000, s10;
	p1 =	slt.u32 s0, $0x3F0;
	s7 =	sor.u32 s7, s9;
	v8 =	vadd.s32 v12, v8;
	v12 =	vld [tilespmem:s8+$0x0];
	v9 =	vmul.u32 $0x1B, v9  }
0x4e: {  	s9 =	sand.u32 $0x380, s17;
	[dreg:$0x5] =	wrdreg s15;
	s11 =	sadd.s32 $0xFFFFFFB0, s2;
	v6 =	vadd.s32 v11, v6;
	v11 =	vld [tilespmem:s14+$0x0]  }
0x4f: {  	s17 =	sand.u32 $0xC00, s13;
	s20 =	sand.u32 $0x70, s2;
	s7 =	sor.u32 s10, s7;
	v8 =	vadd.s32 v1, v8;
	v4 =	vadd.s32 v9, v4;
	v9 =	vld [tilespmem:s5+$0x8000]  }
0x50: {  	s1 =	sor.u32 s19, s1;
	s15 =	sadd.s32 $0xFFFFFF00, s13;
	s14 =	sor.u32 s9, s7;
	[tilespmem:v10+s22+$0x0] =	vst.idx.add.s32.msk $0xffff, v2  }
0x51: {  	s24 =	sadd.s32 $0xFFFFFE00, s13;
	s26 =	sadd.s32 $0xFFFFFF50, s2;
	s5 =	sand.u32 $0x380, s18;
	v6 =	vadd.s32 v1, v6;
	v15 =	vld [tilespmem:s14+$0x0]  }
0x52: {  	s29 =	sadd.s32 $0xFFFFFF90, s2;
	s28 =	sadd.s32 $0x17, s25;
	v16 =	vld [tilespmem:s14+$0x8000];
	s4 =	sor.u32 s5, s4  }
0x53: {  	s3 =	sadd.s32 $0x16, s25;
	s30 =	sadd.s32 $0xFFFFFFF0, s2;
	s6 =	sor.u32 s17, s20;
	v13 =	vmul.u32 $0x1B, v13;
	v63 =	vmul.u32 $0x1B, v17;
	v4 =	vadd.s32 v1, v4;
	v18 =	vld [tilespmem:s4+$0x8000]  }
0x54: {  	s19 =	sand.u32 $0x40, s26;
	[dreg:$0x9] =	wrdreg s30;
	s9 =	sadd.s32 $0xFFFFFA80, s13;
	[tilespmem:v8+s22+$0x0] =	vst.idx.add.s32.msk $0xffff, v2  }
0x55: {  	s26 =	sadd.s32 $0x15, s25;
	s5 =	sand.u32 $0x3000, s16;
	s10 =	sand.u32 $0xC00, s9;
	v3 =	vadd.s32 v63, v3;
	v11 =	vadd.s32 v13, v11;
	v13 =	vld [tilespmem:s4+$0x0]  }
0x56: {  	s30 =	sadd.s32 $0xFFFFFFD0, s2;
	s18 =	sand.u32 $0x380, s31;
	s5 =	sor.u32 s10, s5;
	v3 =	vadd.s32 v1, v3;
	[tilespmem:v6+s22+$0x0] =	vst.idx.add.s32.msk $0xffff, v2  }
0x57: {  	s17 =	sadd.s32 $0xFFFFFD00, s13;
	s20 =	sadd.s32 $0x12, s25;
	s5 =	sor.u32 s18, s5;
	v9 =	vmul.u32 $0x1B, v9;
	v6 =	vmul.u32 $0x1B, v14;
	v14 =	vld [tilespmem:s21+$0x0]  }
0x58: {  	s15 =	sand.u32 $0xC00, s15;
	s11 =	sand.u32 $0x60, s11;
	s5 =	sor.u32 s19, s5;
	v8 =	vadd.s32 v1, v11;
	[tilespmem:v4+s22+$0x0] =	vst.idx.add.s32.msk $0xffff, v2  }
0x59: {  	s8 =	sadd.s32 $0xFFFFFE80, s13;
	[dreg:$0x7] =	wrdreg s6;
	s6 =	sadd.s32 $0xFFFFFFC0, s2;
	v7 =	vadd.s32 v9, v7;
	v11 =	vld [tilespmem:s5+$0x8030]  }
0x5a: {  	s8 =	sand.u32 $0xC00, s8;
	s7 =	sadd.s32 $0xFFFFFF80, s13;
	s31 =	sadd.s32 $0xFFFFFFE0, s2;
	v9 =	vmul.u32 $0x1B, v16;
	v6 =	vadd.s32 v6, v12;
	v12 =	vld [tilespmem:s1+$0x0];
	v7 =	vadd.s32 v1, v7  }
0x5b: {  	v5 =	vmul.u32 $0x1B, v5;
	s14 =	sand.u32 $0xC00, s24;
	s16 =	sand.u32 $0x40, s29;
	[dreg:$0xd] =	wrdreg s31;
	[tilespmem:v3+s22+$0x0] =	vst.idx.add.s32.msk $0xffff, v2;
	v6 =	vadd.s32 v1, v6  }
0x5c: {  	s29 =	sadd.s32 $0xFFFFFD80, s13;
	s31 =	sadd.s32 $0x13, s25;
	s7 =	sand.u32 $0xC00, s7;
	v9 =	vadd.s32 v9, v15;
	v15 =	vld [tilespmem:s1+$0x8000]  }
0x5d: {  	s24 =	sadd.s32 $0x11, s25;
	s18 =	sshll.u32 s26, $0x4;
	s19 =	sand.u32 $0x40, s30;
	v4 =	vadd.s32 v5, v14;
	v5 =	vadd.s32 v1, v9;
	[tilespmem:v8+s22+$0x0] =	vst.idx.add.s32.msk $0xffff, v2  }
0x5e: {  	s30 =	sshll.u32 s24, $0x4;
	s4 =	sshll.u32 s28, $0x2;
	s8 =	sor.u32 s8, s19;
	v8 =	vld [tilespmem:s5+$0x20]  }
0x5f: {  	s21 =	sadd.s32 $0xFFFFFFA0, s2;
	[dreg:$0xe] =	wrdreg s4;
	s4 =	sadd.s32 $0x14, s25;
	v9 =	vmul.u32 $0x1B, v18;
	v4 =	vadd.s32 v1, v4;
	[tilespmem:v7+s22+$0x0] =	vst.idx.add.s32.msk $0xffff, v2  }
0x60: {  	s2 =	sshll.u32 s28, $0x4;
	s28 =	sadd.s32 $0xFFFFFC80, s13;
	s25 =	sadd.s32 $0x10, s25;
	[tilespmem:v6+s22+$0x0] =	vst.idx.add.s32.msk $0xffff, v2  }
0x61: {  	s13 =	sshll.u32 s26, $0x2;
	s26 =	sand.u32 $0x70, s6;
	s21 =	sand.u32 $0x50, s21;
	v6 =	vadd.s32 v9, v13;
	v7 =	vmul.u32 $0x1B, v15;
	v9 =	vld [tilespmem:s5+$0x8010]  }
0x62: {  	s12 =	sshll.u32 s25, $0x2;
	s28 =	sand.u32 $0xC00, s28;
	s25 =	sshll.u32 s25, $0x4;
	v6 =	vadd.s32 v1, v6;
	[tilespmem:v5+s22+$0x0] =	vst.idx.add.s32.msk $0xffff, v2  }
0x63: {  	s2 =	sand.u32 $0x7000, s2;
	s9 =	sand.u32 $0x380, s12;
	s12 =	sshll.u32 s4, $0x2;
	v5 =	vadd.s32 v7, v12;
	v7 =	vld [tilespmem:s5+$0x0]  }
0x64: {  	s10 =	sand.u32 $0x7000, s25;
	s16 =	sor.u32 s28, s16;
	s25 =	sand.u32 $0x7000, s30;
	[tilespmem:v4+s22+$0x0] =	vst.idx.add.s32.msk $0xffff, v2;
	v4 =	vadd.s32 v1, v5  }
0x65: {  	s30 =	sand.u32 $0xC00, s29;
	s4 =	sshll.u32 s4, $0x4;
	s28 =	sshll.u32 s20, $0x4;
	v12 =	vld [tilespmem:s5+$0x8020]  }
0x66: {  	s29 =	sand.u32 $0x7000, s18;
	s18 =	rddreg [dreg:$0x5];
	s1 =	sshll.u32 s3, $0x2;
	v5 =	vld [tilespmem:s5+$0x8000]  }
0x67: {  	s12 =	sand.u32 $0x380, s12;
	s6 =	sor.u32 s10, s16;
	s10 =	sshll.u32 s31, $0x4;
	[tilespmem:v6+s22+$0x0] =	vst.idx.add.s32.msk $0xffff, v2  }
0x68: {  	s11 =	sor.u32 s30, s11;
	s4 =	sand.u32 $0x7000, s4;
	s30 =	sand.u32 $0x380, s13;
	v6 =	vld [tilespmem:s5+$0x30]  }
0x69: {  	s6 =	sor.u32 s9, s6;
	s10 =	sand.u32 $0x7000, s10;
	s4 =	sor.u32 s4, s8;
	[tilespmem:v4+s22+$0x0] =	vst.idx.add.s32.msk $0xffff, v2  }
0x6a: {  	v4 =	vld [tilespmem:s5+$0x10];
	s22 =	sshll.u32 s31, $0x2;
	s31 =	sand.u32 $0xC00, s17;
	s5 =	sor.u32 s12, s4  }
0x6b: {  	s12 =	rddreg [dreg:$0xe];
	s16 =	sand.u32 $0x380, s22;
	s22 =	sshll.u32 s24, $0x2  }
0x6c: {  	s9 =	sor.u32 s31, s21;
	s24 =	sor.u32 s14, s26;
	s26 =	rddreg [dreg:$0xd]  }
.Ltmp3:
0x6d: {  	s17 =	sand.u32 $0x380, s22;
	s9 =	sor.u32 s25, s9;
	(pc) =	sbr.rel @p1 .LBB2_5-.Ltmp3, $4  }
0x6e: {  	v10 =	vmul.u32 $0x1B, v5;
	s14 =	sor.u32 s17, s9;
	s17 =	smov.u32 s1;
	s1 =	sand.u32 $0x50, s26  }
0x6f: {  	v3 =	vld [tilespmem:s6+$0x0];
	s4 =	sand.u32 $0x7000, s28;
	s25 =	sor.u32 s10, s24;
	s1 =	sor.u32 s15, s1  }
0x70: {  	s31 =	rddreg [dreg:$0x7];
	v10 =	vadd.s32 v10, v7;
	v7 =	vld [tilespmem:s5+$0x0];
	s21 =	sor.u32 s16, s25;
	s1 =	sor.u32 s29, s1  }
0x71: {  	v12 =	vmul.u32 $0x1B, v12;
	s9 =	rddreg [dreg:$0x9];
	v5 =	vld [tilespmem:s21+$0x8000];
	s8 =	sor.u32 s30, s1;
	s1 =	sor.u32 s2, s31  }
0x72: {  	v13 =	vld [tilespmem:s14+$0x8000]  }
0x73: {  	v14 =	vld [tilespmem:s8+$0x0]  }
0x74: {  	v48 =	vld [tilespmem:s14+$0x0]  }
0x75: {  	s0 =	sand.u32 $0x60, s9;
	s2 =	sshll.u32 s3, $0x4;
	v15 =	vld [tilespmem:s8+$0x8000]  }
0x76: {  	v11 =	vmul.u32 $0x1B, v11;
	v16 =	vld [tilespmem:s5+$0x8000];
	s2 =	sand.u32 $0x7000, s2;
	s0 =	sor.u32 s7, s0  }
0x77: {  	s26 =	sand.u32 $0x380, s17;
	v19 =	vld [tilespmem:s6+$0x8000];
	s0 =	sor.u32 s2, s0  }
0x78: {  	v50 =	vld [tilespmem:s21+$0x0];
	v6 =	vadd.s32 v11, v6;
	s0 =	sor.u32 s26, s0  }
0x79: {  	v9 =	vmul.u32 $0x1B, v9;
	s28 =	sshll.u32 s20, $0x2;
	s31 =	sand.u32 $0x380, s12;
	v6 =	vadd.s32 v1, v6;
	v17 =	vld [tilespmem:s0+$0x0]  }
0x7a: {  	s29 =	sor.u32 s4, s11;
	s1 =	sor.u32 s31, s1;
	v18 =	vld [tilespmem:s0+$0x8000];
	s0 =	sand.u32 $0x380, s28  }
0x7b: {  	v10 =	vadd.s32 v1, v10;
	v4 =	vadd.s32 v9, v4;
	v53 =	vld [tilespmem:s1+$0x8000];
	s0 =	sor.u32 s0, s29;
	v51 =	vmul.u32 $0x1B, v16  }
0x7c: {  	v8 =	vadd.s32 v12, v8;
	v4 =	vadd.s32 v1, v4;
	v49 =	vmul.u32 $0x1B, v15;
	v52 =	vld [tilespmem:s0+$0x8000]  }
0x7d: {  	s30 =	simm.s32 $0x10000;
	v8 =	vadd.s32 v1, v8;
	v13 =	vmul.u32 $0x1B, v13;
	v55 =	vld [tilespmem:s0+$0x0];
	v7 =	vadd.s32 v51, v7  }
0x7e: {  	v5 =	vmul.u32 $0x1B, v5;
	[tilespmem:v6+s30+$0x0] =	vst.idx.add.s32.msk $0xffff, v2;
	v6 =	vadd.s32 v49, v14;
	v7 =	vadd.s32 v1, v7  }
0x7f: {  	v56 =	vld [tilespmem:s1+$0x0];
	v57 =	vmul.u32 $0x1B, v19;
	v11 =	vadd.s32 v13, v48;
	v6 =	vadd.s32 v1, v6  }
0x80: {  	[tilespmem:v10+s30+$0x0] =	vst.idx.add.s32.msk $0xffff, v2;
	v59 =	vadd.s32 v5, v50;
	v58 =	vadd.s32 v1, v11;
	v54 =	vmul.u32 $0x1B, v18  }
0x81: {  	v3 =	vadd.s32 v57, v3;
	[tilespmem:v4+s30+$0x0] =	vst.idx.add.s32.msk $0xffff, v2;
	v4 =	vadd.s32 v1, v59;
	v61 =	vmul.u32 $0x1B, v52  }
0x82: {  	[tilespmem:v8+s30+$0x0] =	vst.idx.add.s32.msk $0xffff, v2;
	v62 =	vmul.u32 $0x1B, v53;
	v3 =	vadd.s32 v1, v3;
	v12 =	vadd.s32 v54, v17  }
0x83: {  	v60 =	vadd.s32 v1, v12;
	v9 =	vadd.s32 v61, v55;
	[tilespmem:v7+s30+$0x0] =	vst.idx.add.s32.msk $0xffff, v2  }
0x84: {  	[tilespmem:v6+s30+$0x0] =	vst.idx.add.s32.msk $0xffff, v2;
	v63 =	vadd.s32 v1, v9;
	v6 =	vadd.s32 v62, v56  }
0x85: {  	[tilespmem:v58+s30+$0x0] =	vst.idx.add.s32.msk $0xffff, v2;
	v6 =	vadd.s32 v1, v6  }
0x86: {  	[tilespmem:v4+s30+$0x0] =	vst.idx.add.s32.msk $0xffff, v2  }
0x87: {  	[tilespmem:v3+s30+$0x0] =	vst.idx.add.s32.msk $0xffff, v2  }
0x88: {  	[tilespmem:v60+s30+$0x0] =	vst.idx.add.s32.msk $0xffff, v2  }
0x89: {  	s3 =	simm.s32 $0x10000;
	[tilespmem:v63+s30+$0x0] =	vst.idx.add.s32.msk $0xffff, v2  }
0x8a: {  	s4 =	simm.s32 $0x1FE00;
	s5 =	simm.s32 $0x40;
	s6 =	simm.s32 $0x3FC;
	[tilespmem:v6+s30+$0x0] =	vst.idx.add.s32.msk $0xffff, v2  }
.LBB2_7:
0x8b: {  	s0 =	sshll.u32 s6, $0x4  }
0x8c: {  	s0 =	sand.u32 $0xFFFFF000, s0  }
0x8d: {  	s1 =	sand.u32 $0xC00, s4;
	s2 =	sshll.u32 s6, $0x2;
	s0 =	sadd.s32 s0, s5  }
0x8e: {  	s31 =	sand.u32 $0x380, s2;
	s0 =	sadd.s32 s1, s0  }
0x8f: {  	s0 =	sadd.s32 s31, s0  }
0x90: {  	v3 =	vld [tilespmem:s0+$0x8000];
	_ =	sdelay $0x1  }
0x91: {  	v4 =	vld [tilespmem:s0+$0x0];
	_ =	sdelay $0x2  }
0x92: {  	v3 =	vmul.u32 $0x1B, v3;
	_ =	sdelay $0x1  }
0x93: {  	v3 =	vadd.s32 v3, v4  }
0x94: {  	p1 =	sne.s32 s4, $0x1FF80;
	v3 =	vadd.s32 v1, v3  }
.Ltmp4:
0x95: {  	_ = 	snop;
	(pc) =	sbr.rel @p1 .LBB2_7-.Ltmp4, $2  }
0x96: {  	_ =	sdelay $0x2  }
0x97: {  	s6 =	sadd.s32 $0x1, s6;
	s4 =	sadd.s32 $0x80, s4;
	s5 =	sadd.s32 $0x10, s5;
	[tilespmem:v3+s3+$0x0] =	vst.idx.add.s32.msk $0xffff, v2  }
0x98: {  	s0 =	rddreg [dreg:$0x17]  }
0x99: {  	s1 =	rddreg [dreg:$0x18];
	s14 =	simm.s32 $0x2  }
0x9a: {  	s15 =	simm.s32 $0x4;
	s16 =	simm.s32 $0x580;
	s19 =	simm.s32 $0xB0  }
0x9b: {  	s3 =	simm.s32 $0x0;
	s6 =	simm.s32 $0x0;
	s17 =	simm.s32 $0x170  }
0x9c: {  	s7 =	simm.s32 $0x60;
	s4 =	simm.s32 $0x500;
	s18 =	simm.s32 $0xB80  }
0x9d: {  	s8 =	simm.s32 $0x400;
	s5 =	simm.s32 $0x480;
	s20 =	simm.s32 $0x50  }
0x9e: {  	s11 =	simm.s32 $0x70;
	s22 =	simm.s32 $0x380;
	s10 =	simm.s32 $0x0  }
0x9f: {  	s12 =	simm.s32 $0x40;
	s23 =	simm.s32 $0x200;
	s24 =	simm.s32 $0x40  }
0xa0: {  	s25 =	simm.s32 $0x10;
	s28 =	simm.s32 $0x280;
	s29 =	simm.s32 $0x80  }
0xa1: {  	s31 =	simm.s32 $0x50;
	p1 =	seq.s32 s0, $0x3;
	s0 =	rddreg [dreg:$0x12]  }
0xa2: {  	s9 =	sand.u32 $0x3000, s3;
	s21 =	sand.u32 $0x50, s20;
	s13 =	sand.u32 $0xC00, s22  }
0xa3: {  	s6 =	sand.u32 $0x380, s6;
	s12 =	sand.u32 $0x40, s12;
	s3 =	simm.s32 $0xA  }
0xa4: {  	s26 =	sand.u32 $0x380, s25;
	s30 =	sand.u32 $0x70, s11;
	s0 =	sadd.s32 @!p1 s1, s0  }
0xa5: {  	s8 =	sand.u32 $0xC00, s8;
	s1 =	rddreg [dreg:$0x0];
	s0 =	sshll.u32 @!p1 s0, $0x6  }
0xa6: {  	s7 =	sand.u32 $0x60, s7;
	s2 =	simm.s32 @!p1 $0x0;
	s1 =	sadd.s32 @!p1 s1, s0  }
0xa7: {  	[tilespmem:s2], [sflag:$0x1] =	stream.linear.gather @!p1 [hbm4b:s1+s2], $0x4000, $0x38;
	[tilespmem:$0x161E0] =	vst v63  }
0xa8: {  	s22 =	simm.s32 $0x1C;
	s11 =	sor.u32 s13, s30;
	s1 =	rddreg [dreg:$0x1]  }
0xa9: {  	s13 =	simm.s32 $0x300;
	s0 =	sadd.s32 @!p1 s1, s0;
	s1 =	simm.s32 @!p1 $0x8000  }
0xaa: {  	[tilespmem:s1], [sflag:$0x3] =	stream.linear.gather @!p1 [hbm4b:s0+s2], $0x4000, $0x38;
	[tilespmem:$0x161E0] =	vst v63  }
0xab: {  	s30 =	simm.s32 $0xB0;
	s0 =	simm.s32 $0x0;
	_ =	swait.ge [sflag:s14], $0x4000  }
0xac: {  	s1 =	sand.u32 $0xC00, s16;
	s2 =	sand.u32 $0x70, s19;
	[sflag:s14] =	ssyncset.done $0x0  }
0xad: {  	s16 =	simm.s32 $0x90;
	[sflag:s14] =	ssyncadd.s32 $0xFFFFC000;
	s14 =	simm.s32 $0x0  }
0xae: {  	s19 =	simm.s32 $0x14;
	_ =	swait.ge [sflag:s15], $0x4000;
	s14 =	sand.u32 $0xC00, s14  }
0xaf: {  	s1 =	sor.u32 s1, s2;
	[sflag:s15] =	ssyncset.done $0x0;
	s9 =	sor.u32 s14, s9  }
0xb0: {  	s14 =	sand.u32 $0xC00, s23;
	s23 =	simm.s32 $0x20;
	[sflag:s15] =	ssyncadd.s32 $0xFFFFC000  }
0xb1: {  	s15 =	sand.u32 $0x40, s10;
	s10 =	simm.s32 $0xA0;
	s6 =	sor.u32 s6, s9  }
0xb2: {  	s12 =	sor.u32 s14, s12;
	s9 =	sand.u32 $0x7000, s24;
	s24 =	sand.u32 $0xC00, s5  }
0xb3: {  	s25 =	sand.u32 $0x380, s23;
	s9 =	sor.u32 s9, s12;
	s14 =	sor.u32 s15, s6  }
0xb4: {  	s6 =	sand.u32 $0xC00, s28;
	s15 =	simm.s32 $0x70;
	s12 =	sand.u32 $0x40, s29  }
0xb5: {  	s28 =	sand.u32 $0x50, s16;
	s29 =	simm.s32 $0x24;
	s20 =	sor.u32 s26, s9;
	v4 =	vld [tilespmem:s14+$0x4010]  }
0xb6: {  	s2 =	sor.u32 s6, s21;
	s6 =	sand.u32 $0x7000, s31;
	s9 =	sand.u32 $0xC00, s13;
	v6 =	vld [tilespmem:s14+$0x4030]  }
0xb7: {  	s8 =	sor.u32 s8, s12;
	s21 =	simm.s32 $0x80;
	v7 =	vld [tilespmem:s14+$0x4000];
	s26 =	simm.s32 $0x90  }
0xb8: {  	v5 =	vld [tilespmem:s14+$0xC000];
	s31 =	simm.s32 $0x60;
	s2 =	sor.u32 s6, s2;
	s9 =	sor.u32 s9, s7  }
0xb9: {  	v8 =	vld [tilespmem:s14+$0x4020];
	s7 =	sand.u32 $0x380, s19;
	s6 =	sand.u32 $0x7000, s15;
	s12 =	sand.u32 $0x7000, s21  }
0xba: {  	v12 =	vld [tilespmem:s14+$0xC020];
	s15 =	simm.s32 $0x2C;
	s2 =	sor.u32 s7, s2;
	s6 =	sor.u32 s6, s11  }
0xbb: {  	v11 =	vld [tilespmem:s14+$0xC030];
	s7 =	sand.u32 $0x380, s22;
	s8 =	sor.u32 s12, s8;
	s12 =	simm.s32 $0x28  }
0xbc: {  	v9 =	vld [tilespmem:s14+$0xC010];
	s11 =	sor.u32 s7, s6;
	s6 =	sand.u32 $0xC00, s4;
	s5 =	sor.u32 s25, s8  }
0xbd: {  	v3 =	vld [tilespmem:s20+$0x4000];
	s4 =	sor.u32 s24, s28;
	s7 =	sand.u32 $0x7000, s26;
	s8 =	sand.u32 $0x380, s29;
	v10 =	vmul.u32 $0x1B, v5  }
0xbe: {  	s24 =	simm.s32 $0x6;
	s4 =	sor.u32 s7, s4;
	s7 =	sand.u32 $0x7000, s30;
	v5 =	vld [tilespmem:s11+$0xC000]  }
0xbf: {  	s8 =	sor.u32 s8, s4;
	s1 =	sor.u32 s7, s1;
	v12 =	vmul.u32 $0x1B, v12;
	s4 =	sand.u32 $0x7000, s31;
	v10 =	vadd.s32 v10, v7;
	v7 =	vld [tilespmem:s5+$0x4000]  }
.LBB2_9:
0xc0: {  	s7 =	sand.u32 $0x60, s10;
	s26 =	sshll.u32 s3, $0x4;
	s21 =	smov.u32 s0  }
0xc1: {  	s0 =	sadd.s32 $0xC, s0;
	s13 =	smov.u32 s17;
	s25 =	smov.u32 s18  }
0xc2: {  	s30 =	sand.u32 $0x380, s12;
	s31 =	sadd.s32 $0xC0, s17;
	s4 =	sor.u32 s4, s9  }
0xc3: {  	s22 =	simm.s32 $0x10000;
	s16 =	sshll.u32 s24, $0x2;
	s14 =	sshll.u32 s0, $0x4  }
0xc4: {  	s28 =	sshll.u32 s0, $0x2;
	s10 =	sand.u32 $0x7000, s26;
	p1 =	slt.u32 s0, $0x3F0  }
0xc5: {  	s29 =	sor.u32 s6, s7;
	s9 =	sadd.s32 $0xFFFFFFB0, s13;
	s6 =	sadd.s32 $0xFFFFFF80, s25  }
0xc6: {  	v17 =	vld [tilespmem:s20+$0xC000];
	s12 =	sand.u32 $0xC00, s25;
	s19 =	sand.u32 $0x70, s13;
	s20 =	sadd.s32 $0xFFFFFFA0, s13  }
0xc7: {  	v10 =	vadd.s32 v1, v10;
	v13 =	vld [tilespmem:s2+$0xC000];
	s23 =	sadd.s32 $0xFFFFFE00, s25;
	s24 =	sadd.s32 $0xFFFFFF50, s13;
	s3 =	sadd.s32 $0x16, s21  }
0xc8: {  	v14 =	vld [tilespmem:s8+$0xC000];
	s26 =	sadd.s32 $0xFFFFFF90, s13;
	s7 =	smov.u32 s31;
	s31 =	sshll.u32 s3, $0x2;
	v11 =	vmul.u32 $0x1B, v11  }
0xc9: {  	s6 =	sand.u32 $0xC00, s6;
	s9 =	sand.u32 $0x60, s9;
	v8 =	vadd.s32 v12, v8;
	v12 =	vld [tilespmem:s8+$0x4000];
	v9 =	vmul.u32 $0x1B, v9;
	s8 =	sadd.s32 $0xFFFFFE80, s25  }
0xca: {  	[dreg:$0xb] =	wrdreg s31;
	s31 =	sadd.s32 $0x11, s21;
	v6 =	vadd.s32 v11, v6;
	v11 =	vld [tilespmem:s2+$0x4000];
	s2 =	sor.u32 s10, s29  }
0xcb: {  	v8 =	vadd.s32 v1, v8;
	v4 =	vadd.s32 v9, v4;
	v9 =	vld [tilespmem:s5+$0xC000];
	s10 =	sadd.s32 $0x600, s18;
	s18 =	sand.u32 $0x380, s15;
	s5 =	sand.u32 $0x380, s16  }
0xcc: {  	s15 =	sadd.s32 $0xFFFFFF00, s25;
	s16 =	sand.u32 $0x40, s26;
	[tilespmem:v10+s22+$0x0] =	vst.idx.add.s32.msk $0xffff, v2;
	s2 =	sor.u32 s30, s2  }
0xcd: {  	s29 =	sadd.s32 $0xFFFFFFF0, s13;
	s26 =	sadd.s32 $0xFFFFFFD0, s13;
	v6 =	vadd.s32 v1, v6;
	[dreg:$0x6] =	wrdreg s10;
	v15 =	vld [tilespmem:s2+$0x4000]  }
0xce: {  	v63 =	vmul.u32 $0x1B, v17;
	s1 =	sor.u32 s18, s1;
	s4 =	sor.u32 s5, s4;
	s5 =	sand.u32 $0x3000, s14;
	v16 =	vld [tilespmem:s2+$0xC000]  }
0xcf: {  	v13 =	vmul.u32 $0x1B, v13;
	v4 =	vadd.s32 v1, v4;
	s14 =	sand.u32 $0xC00, s23;
	s18 =	sand.u32 $0x380, s28;
	s28 =	sadd.s32 $0x17, s21;
	v18 =	vld [tilespmem:s4+$0xC000]  }
0xd0: {  	[dreg:$0xa] =	wrdreg s29;
	s29 =	sadd.s32 $0xFFFFFD80, s25;
	s23 =	sadd.s32 $0x13, s21;
	v3 =	vadd.s32 v63, v3;
	[tilespmem:v8+s22+$0x0] =	vst.idx.add.s32.msk $0xffff, v2  }
0xd1: {  	s10 =	sadd.s32 $0x10, s21;
	s2 =	sor.u32 s12, s19;
	s19 =	sand.u32 $0x40, s24;
	v3 =	vadd.s32 v1, v3;
	v11 =	vadd.s32 v13, v11;
	v13 =	vld [tilespmem:s4+$0x4000]  }
0xd2: {  	s30 =	sshll.u32 s28, $0x2;
	s24 =	sadd.s32 $0x12, s21;
	s12 =	sadd.s32 $0xFFFFFC80, s25;
	[tilespmem:v6+s22+$0x0] =	vst.idx.add.s32.msk $0xffff, v2  }
0xd3: {  	[dreg:$0xc] =	wrdreg s30;
	s30 =	sadd.s32 $0xFFFFFD00, s25;
	s25 =	sadd.s32 $0xFFFFFA80, s25;
	v9 =	vmul.u32 $0x1B, v9;
	v6 =	vmul.u32 $0x1B, v14;
	v14 =	vld [tilespmem:s11+$0x4000]  }
0xd4: {  	[dreg:$0x8] =	wrdreg s2;
	s17 =	sand.u32 $0xC00, s12;
	s25 =	sand.u32 $0xC00, s25;
	v8 =	vadd.s32 v1, v11;
	[tilespmem:v4+s22+$0x0] =	vst.idx.add.s32.msk $0xffff, v2  }
0xd5: {  	s2 =	sadd.s32 $0xFFFFFFC0, s13;
	s16 =	sor.u32 s17, s16;
	s5 =	sor.u32 s25, s5;
	v7 =	vadd.s32 v9, v7;
	v9 =	vmul.u32 $0x1B, v16;
	v6 =	vadd.s32 v6, v12;
	v12 =	vld [tilespmem:s1+$0x4000]  }
0xd6: {  	s4 =	sadd.s32 $0x14, s21;
	s11 =	sand.u32 $0x50, s20;
	s5 =	sor.u32 s18, s5;
	v7 =	vadd.s32 v1, v7;
	[tilespmem:v3+s22+$0x0] =	vst.idx.add.s32.msk $0xffff, v2  }
0xd7: {  	s20 =	sadd.s32 $0x15, s21;
	s5 =	sor.u32 s19, s5;
	v9 =	vadd.s32 v9, v15;
	v15 =	vld [tilespmem:s1+$0xC000];
	s1 =	sadd.s32 $0xFFFFFFE0, s13  }
0xd8: {  	v5 =	vmul.u32 $0x1B, v5;
	v11 =	vld [tilespmem:s5+$0xC030];
	v6 =	vadd.s32 v1, v6;
	s13 =	sshll.u32 s28, $0x4;
	s28 =	sshll.u32 s10, $0x2;
	s10 =	sshll.u32 s10, $0x4  }
0xd9: {  	s21 =	sshll.u32 s20, $0x2;
	s18 =	sshll.u32 s20, $0x4;
	s10 =	sand.u32 $0x7000, s10;
	[tilespmem:v8+s22+$0x0] =	vst.idx.add.s32.msk $0xffff, v2  }
0xda: {  	s20 =	sshll.u32 s31, $0x4;
	s12 =	sand.u32 $0x380, s28;
	v4 =	vadd.s32 v5, v14;
	v5 =	vadd.s32 v1, v9;
	s10 =	sor.u32 s10, s16;
	v8 =	vld [tilespmem:s5+$0x4020]  }
0xdb: {  	s8 =	sand.u32 $0xC00, s8;
	s19 =	sand.u32 $0x7000, s20;
	v4 =	vadd.s32 v1, v4;
	s20 =	sor.u32 s12, s10;
	[tilespmem:v7+s22+$0x0] =	vst.idx.add.s32.msk $0xffff, v2  }
0xdc: {  	s15 =	sand.u32 $0xC00, s15;
	s17 =	sand.u32 $0x40, s26;
	s2 =	sand.u32 $0x70, s2;
	v9 =	vmul.u32 $0x1B, v18;
	v3 =	vld [tilespmem:s20+$0x4000]  }
0xdd: {  	s26 =	sshll.u32 s23, $0x2;
	s30 =	sand.u32 $0xC00, s30;
	s14 =	sor.u32 s14, s2;
	[tilespmem:v6+s22+$0x0] =	vst.idx.add.s32.msk $0xffff, v2;
	v7 =	vmul.u32 $0x1B, v15  }
0xde: {  	s8 =	sor.u32 s8, s17;
	s17 =	smov.u32 s7;
	s31 =	sshll.u32 s31, $0x2;
	v6 =	vadd.s32 v9, v13;
	v9 =	vld [tilespmem:s5+$0xC010]  }
0xdf: {  	s28 =	sshll.u32 s4, $0x2;
	s4 =	sshll.u32 s4, $0x4;
	s1 =	sand.u32 $0x50, s1;
	v6 =	vadd.s32 v1, v6;
	[tilespmem:v5+s22+$0x0] =	vst.idx.add.s32.msk $0xffff, v2;
	v5 =	vadd.s32 v7, v12  }
0xe0: {  	s25 =	sand.u32 $0x380, s28;
	s28 =	sand.u32 $0xC00, s29;
	s29 =	sand.u32 $0x380, s26;
	[tilespmem:v4+s22+$0x0] =	vst.idx.add.s32.msk $0xffff, v2;
	v4 =	vadd.s32 v1, v5  }
0xe1: {  	s4 =	sand.u32 $0x7000, s4;
	s26 =	sshll.u32 s24, $0x4;
	s1 =	sor.u32 s15, s1;
	v5 =	vld [tilespmem:s5+$0xC000]  }
0xe2: {  	s15 =	rddreg [dreg:$0xc];
	s12 =	sand.u32 $0x380, s31;
	s10 =	sor.u32 s30, s11;
	v7 =	vld [tilespmem:s5+$0x4000]  }
0xe3: {  	s9 =	sor.u32 s28, s9;
	s28 =	sand.u32 $0x7000, s18;
	s18 =	rddreg [dreg:$0x6];
	v12 =	vld [tilespmem:s5+$0xC020]  }
0xe4: {  	s4 =	sor.u32 s4, s8;
	s30 =	sand.u32 $0x7000, s13;
	s31 =	rddreg [dreg:$0x8];
	[tilespmem:v6+s22+$0x0] =	vst.idx.add.s32.msk $0xffff, v2  }
.Ltmp5:
0xe5: {  	s19 =	sor.u32 s19, s10;
	[tilespmem:v4+s22+$0x0] =	vst.idx.add.s32.msk $0xffff, v2;
	s22 =	sshll.u32 s23, $0x4;
	(pc) =	sbr.rel @p1 .LBB2_9-.Ltmp5, $4  }
0xe6: {  	s1 =	sor.u32 s28, s1;
	s2 =	sor.u32 s12, s19;
	v6 =	vld [tilespmem:s5+$0x4030];
	v10 =	vmul.u32 $0x1B, v5;
	s22 =	sand.u32 $0x7000, s22  }
0xe7: {  	s12 =	rddreg [dreg:$0xb];
	v4 =	vld [tilespmem:s5+$0x4010];
	s5 =	sor.u32 s25, s4;
	s10 =	sor.u32 s22, s14  }
0xe8: {  	s4 =	sand.u32 $0x7000, s26;
	v10 =	vadd.s32 v10, v7;
	v7 =	vld [tilespmem:s5+$0x4000];
	s11 =	sor.u32 s29, s10;
	s29 =	sand.u32 $0x380, s21  }
0xe9: {  	v12 =	vmul.u32 $0x1B, v12;
	s10 =	rddreg [dreg:$0xa];
	v5 =	vld [tilespmem:s11+$0xC000];
	s8 =	sor.u32 s29, s1;
	s1 =	sor.u32 s30, s31  }
0xea: {  	v13 =	vld [tilespmem:s2+$0xC000]  }
0xeb: {  	v14 =	vld [tilespmem:s8+$0x4000]  }
0xec: {  	v48 =	vld [tilespmem:s2+$0x4000]  }
0xed: {  	s0 =	sand.u32 $0x60, s10;
	s3 =	sshll.u32 s3, $0x4;
	v15 =	vld [tilespmem:s8+$0xC000]  }
0xee: {  	v11 =	vmul.u32 $0x1B, v11;
	v16 =	vld [tilespmem:s5+$0xC000];
	s3 =	sand.u32 $0x7000, s3;
	s0 =	sor.u32 s6, s0  }
0xef: {  	s26 =	sand.u32 $0x380, s12;
	v19 =	vld [tilespmem:s20+$0xC000];
	s0 =	sor.u32 s3, s0  }
0xf0: {  	v50 =	vld [tilespmem:s11+$0x4000];
	v6 =	vadd.s32 v11, v6;
	s0 =	sor.u32 s26, s0  }
0xf1: {  	v9 =	vmul.u32 $0x1B, v9;
	s28 =	sshll.u32 s24, $0x2;
	s31 =	sand.u32 $0x380, s15;
	v6 =	vadd.s32 v1, v6;
	v17 =	vld [tilespmem:s0+$0x4000]  }
0xf2: {  	s29 =	sor.u32 s4, s9;
	s1 =	sor.u32 s31, s1;
	v18 =	vld [tilespmem:s0+$0xC000];
	s0 =	sand.u32 $0x380, s28  }
0xf3: {  	v10 =	vadd.s32 v1, v10;
	v4 =	vadd.s32 v9, v4;
	v53 =	vld [tilespmem:s1+$0xC000];
	s0 =	sor.u32 s0, s29;
	v51 =	vmul.u32 $0x1B, v16  }
0xf4: {  	v8 =	vadd.s32 v12, v8;
	v4 =	vadd.s32 v1, v4;
	v49 =	vmul.u32 $0x1B, v15;
	v52 =	vld [tilespmem:s0+$0xC000]  }
0xf5: {  	s30 =	simm.s32 $0x10000;
	v8 =	vadd.s32 v1, v8;
	v13 =	vmul.u32 $0x1B, v13;
	v55 =	vld [tilespmem:s0+$0x4000];
	v7 =	vadd.s32 v51, v7  }
0xf6: {  	v5 =	vmul.u32 $0x1B, v5;
	[tilespmem:v6+s30+$0x0] =	vst.idx.add.s32.msk $0xffff, v2;
	v6 =	vadd.s32 v49, v14;
	v7 =	vadd.s32 v1, v7  }
0xf7: {  	v56 =	vld [tilespmem:s1+$0x4000];
	v57 =	vmul.u32 $0x1B, v19;
	v11 =	vadd.s32 v13, v48;
	v6 =	vadd.s32 v1, v6  }
0xf8: {  	[tilespmem:v10+s30+$0x0] =	vst.idx.add.s32.msk $0xffff, v2;
	v59 =	vadd.s32 v5, v50;
	v58 =	vadd.s32 v1, v11;
	v54 =	vmul.u32 $0x1B, v18  }
0xf9: {  	v3 =	vadd.s32 v57, v3;
	[tilespmem:v4+s30+$0x0] =	vst.idx.add.s32.msk $0xffff, v2;
	v4 =	vadd.s32 v1, v59;
	v61 =	vmul.u32 $0x1B, v52  }
0xfa: {  	[tilespmem:v8+s30+$0x0] =	vst.idx.add.s32.msk $0xffff, v2;
	v62 =	vmul.u32 $0x1B, v53;
	v3 =	vadd.s32 v1, v3;
	v12 =	vadd.s32 v54, v17  }
0xfb: {  	v60 =	vadd.s32 v1, v12;
	v9 =	vadd.s32 v61, v55;
	[tilespmem:v7+s30+$0x0] =	vst.idx.add.s32.msk $0xffff, v2  }
0xfc: {  	[tilespmem:v6+s30+$0x0] =	vst.idx.add.s32.msk $0xffff, v2;
	v63 =	vadd.s32 v1, v9;
	v6 =	vadd.s32 v62, v56  }
0xfd: {  	[tilespmem:v58+s30+$0x0] =	vst.idx.add.s32.msk $0xffff, v2;
	v6 =	vadd.s32 v1, v6  }
0xfe: {  	[tilespmem:v4+s30+$0x0] =	vst.idx.add.s32.msk $0xffff, v2  }
0xff: {  	[tilespmem:v3+s30+$0x0] =	vst.idx.add.s32.msk $0xffff, v2  }
0x100: {  	[tilespmem:v60+s30+$0x0] =	vst.idx.add.s32.msk $0xffff, v2  }
0x101: {  	s4 =	simm.s32 $0x1FE00;
	[tilespmem:v63+s30+$0x0] =	vst.idx.add.s32.msk $0xffff, v2  }
0x102: {  	s5 =	simm.s32 $0x40;
	s6 =	simm.s32 $0x3FC;
	s3 =	simm.s32 $0x10000;
	[tilespmem:v6+s30+$0x0] =	vst.idx.add.s32.msk $0xffff, v2  }
.LBB2_11:
0x103: {  	s0 =	sshll.u32 s6, $0x4  }
0x104: {  	s0 =	sand.u32 $0xFFFFF000, s0  }
0x105: {  	s1 =	sand.u32 $0xC00, s4;
	s2 =	sshll.u32 s6, $0x2;
	s0 =	sadd.s32 s0, s5  }
0x106: {  	s31 =	sand.u32 $0x380, s2;
	s0 =	sadd.s32 s1, s0  }
0x107: {  	s0 =	sadd.s32 s31, s0  }
0x108: {  	v3 =	vld [tilespmem:s0+$0xC000];
	_ =	sdelay $0x1  }
0x109: {  	v4 =	vld [tilespmem:s0+$0x4000];
	_ =	sdelay $0x2  }
0x10a: {  	v3 =	vmul.u32 $0x1B, v3;
	_ =	sdelay $0x1  }
0x10b: {  	v3 =	vadd.s32 v3, v4  }
0x10c: {  	p1 =	sne.s32 s4, $0x1FF80;
	v3 =	vadd.s32 v1, v3  }
.Ltmp6:
0x10d: {  	_ = 	snop;
	(pc) =	sbr.rel @p1 .LBB2_11-.Ltmp6, $2  }
0x10e: {  	_ =	sdelay $0x2  }
0x10f: {  	s6 =	sadd.s32 $0x1, s6;
	s4 =	sadd.s32 $0x80, s4;
	s5 =	sadd.s32 $0x10, s5;
	[tilespmem:v3+s3+$0x0] =	vst.idx.add.s32.msk $0xffff, v2  }
0x110: {  	s0 =	rddreg [dreg:$0x17]  }
0x111: {  	s0 =	sadd.s32 $0x1, s0  }
0x112: {  	p1 =	sne.s32 s0, $0x4  }
.Ltmp7:
0x113: {  	_ = 	snop;
	(pc) =	sbr.rel @p1 .LBB2_4-.Ltmp7, $1  }
0x114: {  	_ =	sdelay $0x3  }
0x115: {  	s0 =	simm.s32 $0x119E0  }
0x116: {  	v3 =	vld [tilespmem:s0+$0xFFFFE900]  }
0x117: {  	v4 =	vld [tilespmem:s0+$0xFFFFE620]  }
0x118: {  	s1 =	simm.s32 $0x0;
	v5 =	vld [tilespmem:s0+$0xFFFFEBE0]  }
0x119: {  	v6 =	vld [tilespmem:s0+$0xFFFFEEC0];
	s1 =	sand.u32 $0x3F0, s1  }
0x11a: {  	v7 =	vld [tilespmem:s1+$0x10B80]  }
0x11b: {  	v8 =	vld [tilespmem:s0+$0xFFFFF480]  }
0x11c: {  	v3 =	vadd.s32 v4, v3;
	v4 =	vld [tilespmem:s0+$0xFFFFF760]  }
0x11d: {  	v3 =	vadd.s32 v5, v3;
	v5 =	vld [tilespmem:s0+$0xFFFFFA40]  }
0x11e: {  	v3 =	vadd.s32 v6, v3;
	v6 =	vld [tilespmem:s1+$0x11700]  }
0x11f: {  	v3 =	vadd.s32 v7, v3;
	v7 =	vld [tilespmem:s0+$0x0]  }
0x120: {  	v62 =	vld [tilespmem:s0+$0x2E0];
	v3 =	vadd.s32 v8, v3  }
0x121: {  	v3 =	vadd.s32 v4, v3;
	v4 =	vld [tilespmem:s0+$0x5C0]  }
0x122: {  	v3 =	vadd.s32 v5, v3;
	v5 =	vld [tilespmem:s1+$0x12280]  }
0x123: {  	v3 =	vadd.s32 v6, v3;
	v6 =	vld [tilespmem:s0+$0xB80]  }
0x124: {  	v3 =	vadd.s32 v7, v3;
	v7 =	vld [tilespmem:s0+$0xE60]  }
0x125: {  	v63 =	vld [tilespmem:s0+$0x1140];
	v3 =	vadd.s32 v62, v3  }
0x126: {  	v3 =	vadd.s32 v4, v3  }
0x127: {  	v3 =	vadd.s32 v5, v3  }
0x128: {  	v3 =	vadd.s32 v6, v3  }
0x129: {  	v3 =	vadd.s32 v7, v3  }
0x12a: {  	s0 =	simm.s32 $0x12E00;
	v3 =	vadd.s32 v63, v3  }
0x12b: {  	s1 =	simm.s32 $0x119F0;
	[tilespmem:s0+$0x0] =	vst v3  }
0x12c: {  	v3 =	vld [tilespmem:s1+$0xFFFFE900]  }
0x12d: {  	s2 =	simm.s32 $0x10;
	s3 =	simm.s32 $0x20;
	v4 =	vld [tilespmem:s1+$0xFFFFE620]  }
.LBB2_14:
0x12e: {  	p1 =	sne.s32 s3, $0x2D0;
	v5 =	vld [tilespmem:s1+$0xFFFFEBE0]  }
0x12f: {  	s4 =	sand.u32 $0x3F0, s2;
	s2 =	smov.u32 s3;
	v6 =	vld [tilespmem:s1+$0xFFFFEEC0]  }
0x130: {  	v7 =	vld [tilespmem:s4+$0x10B80]  }
0x131: {  	v8 =	vld [tilespmem:s1+$0xFFFFF480]  }
0x132: {  	v3 =	vadd.s32 v4, v3;
	v4 =	vld [tilespmem:s1+$0xFFFFF760]  }
0x133: {  	v3 =	vadd.s32 v5, v3;
	v5 =	vld [tilespmem:s1+$0xFFFFFA40]  }
0x134: {  	v3 =	vadd.s32 v6, v3;
	v6 =	vld [tilespmem:s4+$0x11700]  }
0x135: {  	v3 =	vadd.s32 v7, v3;
	v7 =	vld [tilespmem:s1+$0x0]  }
0x136: {  	v3 =	vadd.s32 v8, v3;
	v8 =	vld [tilespmem:s1+$0x2E0]  }
0x137: {  	v3 =	vadd.s32 v4, v3;
	v4 =	vld [tilespmem:s1+$0x5C0]  }
0x138: {  	v3 =	vadd.s32 v5, v3;
	v5 =	vld [tilespmem:s4+$0x12280]  }
0x139: {  	v3 =	vadd.s32 v6, v3;
	v6 =	vld [tilespmem:s1+$0xB80]  }
0x13a: {  	v3 =	vadd.s32 v7, v3;
	v7 =	vld [tilespmem:s1+$0xE60]  }
0x13b: {  	v3 =	vadd.s32 v8, v3;
	v8 =	vld [tilespmem:s1+$0x1140]  }
0x13c: {  	v3 =	vadd.s32 v4, v3  }
0x13d: {  	v3 =	vadd.s32 v5, v3  }
0x13e: {  	v3 =	vadd.s32 v6, v3  }
.Ltmp8:
0x13f: {  	v3 =	vadd.s32 v7, v3;
	(pc) =	sbr.rel @p1 .LBB2_14-.Ltmp8, $4  }
0x140: {  	s0 =	sadd.s32 $0x10, s0;
	v3 =	vadd.s32 v8, v3  }
0x141: {  	s1 =	sadd.s32 $0x10, s1;
	[tilespmem:s0+$0x0] =	vst v3  }
0x142: {  	v3 =	vld [tilespmem:s1+$0xFFFFE900]  }
0x143: {  	s3 =	sadd.s32 $0x10, s3;
	v4 =	vld [tilespmem:s1+$0xFFFFE620]  }
0x144: {  	v5 =	vld [tilespmem:s1+$0xFFFFEBE0]  }
0x145: {  	v6 =	vld [tilespmem:s1+$0xFFFFEEC0];
	s2 =	sand.u32 $0x3F0, s2  }
0x146: {  	v7 =	vld [tilespmem:s2+$0x10B80]  }
0x147: {  	v8 =	vld [tilespmem:s1+$0xFFFFF480]  }
0x148: {  	v54 =	vld [tilespmem:s1+$0xFFFFF760];
	v3 =	vadd.s32 v4, v3  }
0x149: {  	v55 =	vld [tilespmem:s1+$0xFFFFFA40];
	v3 =	vadd.s32 v5, v3  }
0x14a: {  	v56 =	vld [tilespmem:s2+$0x11700];
	v3 =	vadd.s32 v6, v3  }
0x14b: {  	v57 =	vld [tilespmem:s1+$0x0];
	v3 =	vadd.s32 v7, v3  }
0x14c: {  	v58 =	vld [tilespmem:s1+$0x2E0];
	v3 =	vadd.s32 v8, v3  }
0x14d: {  	v59 =	vld [tilespmem:s1+$0x5C0];
	v3 =	vadd.s32 v54, v3  }
0x14e: {  	v60 =	vld [tilespmem:s2+$0x12280];
	v3 =	vadd.s32 v55, v3  }
0x14f: {  	v61 =	vld [tilespmem:s1+$0xB80];
	v3 =	vadd.s32 v56, v3  }
0x150: {  	v62 =	vld [tilespmem:s1+$0xE60];
	v3 =	vadd.s32 v57, v3  }
0x151: {  	v63 =	vld [tilespmem:s1+$0x1140];
	v3 =	vadd.s32 v58, v3  }
0x152: {  	v3 =	vadd.s32 v59, v3  }
0x153: {  	v3 =	vadd.s32 v60, v3  }
0x154: {  	v3 =	vadd.s32 v61, v3  }
0x155: {  	v3 =	vadd.s32 v62, v3  }
0x156: {  	s0 =	sadd.s32 $0x10, s0;
	v3 =	vadd.s32 v63, v3  }
0x157: {  	s29 =	rddreg [dreg:$0x13];
	s30 =	simm.s32 $0x12E00;
	s31 =	simm.s32 $0x5;
	[tilespmem:s0+$0x0] =	vst v3  }
0x158: {  	[spmem:s29] =	stream.linear.scatter [tilespmem:s30], [sflag:$0x5], $0x2E0, $0x38;
	[tilespmem:$0x161E0] =	vst v63  }
.Ltmp9:
0x159: {  	_ =	swait.ge [sflag:s31], $0x2E0;
	(pc) =	sbr.rel @p0 .LBB2_19-.Ltmp9, $4  }
0x15a: {  	[sflag:s31] =	ssyncset.done $0x0  }
0x15b: {  	[sflag:s31] =	ssyncadd.s32 $0xFFFFFD20  }
0x15c: {  	[bflag:$0x0] =	sbarrier.arrive $0xFFFF  }
0x15d: {  	s1 =	rddreg [dreg:$0x16]  }
0x15e: {  	s0 =	rddreg [dreg:$0x3];
	s1 =	simm.s32 $0x13100;
	s29 =	simm.s32 $0x5  }
0x15f: {  	[tilespmem:s1], [sflag:$0x5] =	stream.linear.gather [spmem:s0], $0x2E00, $0x38;
	[tilespmem:$0x161E0] =	vst v63  }
0x160: {  	_ =	swait.ge [sflag:s29], $0x2E00  }
0x161: {  	[sflag:s29] =	ssyncset.done $0x0  }
0x162: {  	s30 =	simm.s32 $0x14AE0;
	[sflag:s29] =	ssyncadd.s32 $0xFFFFD200  }
0x163: {  	v3 =	vld [tilespmem:s30+$0xFFFFE900]  }
0x164: {  	v4 =	vld [tilespmem:s30+$0xFFFFE620]  }
0x165: {  	s31 =	simm.s32 $0x0;
	v5 =	vld [tilespmem:s30+$0xFFFFEBE0]  }
0x166: {  	s1 =	sand.u32 $0x3F0, s31;
	v6 =	vld [tilespmem:s30+$0xFFFFEEC0]  }
0x167: {  	v7 =	vld [tilespmem:s1+$0x13C80]  }
0x168: {  	v8 =	vld [tilespmem:s30+$0xFFFFF480]  }
0x169: {  	v3 =	vadd.s32 v4, v3;
	v4 =	vld [tilespmem:s30+$0xFFFFF760]  }
0x16a: {  	v3 =	vadd.s32 v5, v3;
	v5 =	vld [tilespmem:s30+$0xFFFFFA40]  }
0x16b: {  	v3 =	vadd.s32 v6, v3;
	v6 =	vld [tilespmem:s1+$0x14800]  }
0x16c: {  	v3 =	vadd.s32 v7, v3;
	v7 =	vld [tilespmem:s30+$0x0]  }
0x16d: {  	v62 =	vld [tilespmem:s30+$0x2E0];
	v3 =	vadd.s32 v8, v3  }
0x16e: {  	v3 =	vadd.s32 v4, v3;
	v4 =	vld [tilespmem:s30+$0x5C0]  }
0x16f: {  	v3 =	vadd.s32 v5, v3;
	v5 =	vld [tilespmem:s1+$0x15380]  }
0x170: {  	v3 =	vadd.s32 v6, v3;
	v6 =	vld [tilespmem:s30+$0xB80]  }
0x171: {  	v3 =	vadd.s32 v7, v3;
	v7 =	vld [tilespmem:s30+$0xE60]  }
0x172: {  	v63 =	vld [tilespmem:s30+$0x1140];
	v3 =	vadd.s32 v62, v3  }
0x173: {  	v3 =	vadd.s32 v4, v3  }
0x174: {  	v3 =	vadd.s32 v5, v3  }
0x175: {  	v3 =	vadd.s32 v6, v3  }
0x176: {  	v3 =	vadd.s32 v7, v3  }
0x177: {  	s0 =	simm.s32 $0x12E00;
	v3 =	vadd.s32 v63, v3  }
0x178: {  	s1 =	simm.s32 $0x14AF0;
	[tilespmem:s0+$0x0] =	vst v3  }
0x179: {  	v3 =	vld [tilespmem:s1+$0xFFFFE900]  }
0x17a: {  	s2 =	simm.s32 $0x10;
	s3 =	simm.s32 $0x20;
	v4 =	vld [tilespmem:s1+$0xFFFFE620]  }
.LBB2_17:
0x17b: {  	p1 =	sne.s32 s3, $0x2D0;
	v5 =	vld [tilespmem:s1+$0xFFFFEBE0]  }
0x17c: {  	s4 =	sand.u32 $0x3F0, s2;
	s2 =	smov.u32 s3;
	v6 =	vld [tilespmem:s1+$0xFFFFEEC0]  }
0x17d: {  	v7 =	vld [tilespmem:s4+$0x13C80]  }
0x17e: {  	v8 =	vld [tilespmem:s1+$0xFFFFF480]  }
0x17f: {  	v3 =	vadd.s32 v4, v3;
	v4 =	vld [tilespmem:s1+$0xFFFFF760]  }
0x180: {  	v3 =	vadd.s32 v5, v3;
	v5 =	vld [tilespmem:s1+$0xFFFFFA40]  }
0x181: {  	v3 =	vadd.s32 v6, v3;
	v6 =	vld [tilespmem:s4+$0x14800]  }
0x182: {  	v3 =	vadd.s32 v7, v3;
	v7 =	vld [tilespmem:s1+$0x0]  }
0x183: {  	v3 =	vadd.s32 v8, v3;
	v8 =	vld [tilespmem:s1+$0x2E0]  }
0x184: {  	v3 =	vadd.s32 v4, v3;
	v4 =	vld [tilespmem:s1+$0x5C0]  }
0x185: {  	v3 =	vadd.s32 v5, v3;
	v5 =	vld [tilespmem:s4+$0x15380]  }
0x186: {  	v3 =	vadd.s32 v6, v3;
	v6 =	vld [tilespmem:s1+$0xB80]  }
0x187: {  	v3 =	vadd.s32 v7, v3;
	v7 =	vld [tilespmem:s1+$0xE60]  }
0x188: {  	v3 =	vadd.s32 v8, v3;
	v8 =	vld [tilespmem:s1+$0x1140]  }
0x189: {  	v3 =	vadd.s32 v4, v3  }
0x18a: {  	v3 =	vadd.s32 v5, v3  }
0x18b: {  	v3 =	vadd.s32 v6, v3  }
.Ltmp10:
0x18c: {  	v3 =	vadd.s32 v7, v3;
	(pc) =	sbr.rel @p1 .LBB2_17-.Ltmp10, $4  }
0x18d: {  	s0 =	sadd.s32 $0x10, s0;
	v3 =	vadd.s32 v8, v3  }
0x18e: {  	s1 =	sadd.s32 $0x10, s1;
	[tilespmem:s0+$0x0] =	vst v3  }
0x18f: {  	v3 =	vld [tilespmem:s1+$0xFFFFE900]  }
0x190: {  	s3 =	sadd.s32 $0x10, s3;
	v4 =	vld [tilespmem:s1+$0xFFFFE620]  }
0x191: {  	v5 =	vld [tilespmem:s1+$0xFFFFEBE0]  }
0x192: {  	v6 =	vld [tilespmem:s1+$0xFFFFEEC0];
	s2 =	sand.u32 $0x3F0, s2  }
0x193: {  	v7 =	vld [tilespmem:s2+$0x13C80]  }
0x194: {  	v8 =	vld [tilespmem:s1+$0xFFFFF480]  }
0x195: {  	v54 =	vld [tilespmem:s1+$0xFFFFF760];
	v3 =	vadd.s32 v4, v3  }
0x196: {  	v55 =	vld [tilespmem:s1+$0xFFFFFA40];
	v3 =	vadd.s32 v5, v3  }
0x197: {  	v56 =	vld [tilespmem:s2+$0x14800];
	v3 =	vadd.s32 v6, v3  }
0x198: {  	v57 =	vld [tilespmem:s1+$0x0];
	v3 =	vadd.s32 v7, v3  }
0x199: {  	v58 =	vld [tilespmem:s1+$0x2E0];
	v3 =	vadd.s32 v8, v3  }
0x19a: {  	v59 =	vld [tilespmem:s1+$0x5C0];
	v3 =	vadd.s32 v54, v3  }
0x19b: {  	v60 =	vld [tilespmem:s2+$0x15380];
	v3 =	vadd.s32 v55, v3  }
0x19c: {  	v61 =	vld [tilespmem:s1+$0xB80];
	v3 =	vadd.s32 v56, v3  }
0x19d: {  	v62 =	vld [tilespmem:s1+$0xE60];
	v3 =	vadd.s32 v57, v3  }
0x19e: {  	v63 =	vld [tilespmem:s1+$0x1140];
	v3 =	vadd.s32 v58, v3  }
0x19f: {  	v3 =	vadd.s32 v59, v3  }
0x1a0: {  	v3 =	vadd.s32 v60, v3  }
0x1a1: {  	v3 =	vadd.s32 v61, v3  }
0x1a2: {  	s0 =	sadd.s32 $0x10, s0;
	v3 =	vadd.s32 v62, v3  }
0x1a3: {  	s28 =	rddreg [dreg:$0x14];
	s29 =	simm.s32 $0x12E00;
	s30 =	simm.s32 $0x80;
	v3 =	vadd.s32 v63, v3  }
.Ltmp11:
0x1a4: {  	s3 =	simm.s32 $0x100;
	s31 =	simm.s32 $0x5;
	[tilespmem:s0+$0x0] =	vst v3;
	(pc) =	sbr.rel .LBB2_19-.Ltmp11, $4  }
0x1a5: {  	[hbm4b:s28+s30] =	stream.strided.scatter [tilespmem:s29], [sflag:$0x5], $0x300, s3, s30, $0x38;
	[tilespmem:$0x161E0] =	vst v63  }
0x1a6: {  	_ =	swait.ge [sflag:s31], $0x300  }
0x1a7: {  	[sflag:s31] =	ssyncset.done $0x0  }
0x1a8: {  	s1 =	rddreg [dreg:$0x16];
	[sflag:s31] =	ssyncadd.s32 $0xFFFFFD00  }
.LBB2_20:
0x1a9: {  	_ =	sfence.sel $0x180000  }
0x1aa: {  	[bflag:$0x0] =	sbarrier.arrive $0xFFFF  }
0x1ab: {  	_ =	strace $0x90000047  }
0x1ac: {  	[bflag:$0x2] =	sbarrier.arrive $0xFFFF  }
0x1ad: {  	s0 =	rddreg [dreg:$0x4]  }
0x1ae: {  	s0 =	sadd.s32 @!p0 $0x100000, s0  }
0x1af: {  	[sflag:s0] =	ssyncadd.tile.s32 @!p0 $0x1;
	_ =	shalt  }
.Lfunc_end2:
_tile_overlayer_lowered:
.L_overlay_start_2:
0x1b0: {  	(tag) =	ssettag $0x2  }
0x1b1: {  	s0 =	rddreg [dreg:$0x0];
	s2 =	stileid.u32  }
0x1b2: {  	s1 =	rddreg [dreg:$0x1];
	p0 =	sne.s32 s2, $0x0  }
0x1b3: {  	s3 =	rddreg [dreg:$0x2];
	[bflag:$0x3] =	sbarrier.arrive $0xFFFF;
	s2 =	simm.s32 @!p0 $0x1C05  }
0x1b4: {  	[timem:s3], [sflag:s2] =	dma.local @!p0 [hbm:s0], s1  }
0x1b5: {  	s0 =	simm.s32 @!p0 $0x5  }
0x1b6: {  	_ =	swait.ge @!p0 [sflag:s0], s1  }
0x1b7: {  	s1 =	ssub.s32 @!p0 $0x0, s1;
	[sflag:s0] =	ssyncset.done @!p0 $0x0  }
0x1b8: {  	[sflag:s0] =	ssyncadd.s32 @!p0 s1  }
0x1b9: {  	[bflag:$0x3] =	sbarrier.arrive $0xFFFF  }
0x1ba: {  	_ =	shalt  }

</sc_bundles>
